<compile_context>
chip_gen: v7x
topology: tpu7x:2x2x1
jax: 0.10.2.dev20260603
libtpu: 0.0.44.dev20260713+nightly
codegen_flags: <defaults>
</compile_context>

<pallas_src>
import jax
import jax.numpy as jnp
from jax import lax
from jax.experimental import pallas as pl
from jax.experimental.pallas import tpu as pltpu
from jax.experimental.pallas import tpu_sc as plsc

T = 8192
KC = 8
DC = 256
CW = KC + 2 * DC * KC
BT = 256
RC = 64
NC, NS, L = 2, 16, 16
NW = NC * NS
TPW = T // NW

_SC_PARAMS = pltpu.CompilerParams(use_tc_tiling_on_sc=False,
                                  needs_layout_passes=False)


def _sel_body(lg_hbm, sel_hbm, lg_v, out_v, sem):
    c = lax.axis_index("c")
    s = lax.axis_index("s")
    wid = s * NC + c
    base = wid * (TPW * KC)
    pltpu.sync_copy(lg_hbm.at[pl.ds(base, TPW * KC)], lg_v)

    def chunk(u, carry):
        tj = u // 8
        uu = u % 8
        off = tj * 1024 + uu * L
        lk = [lg_v[pl.ds(off + k * 128, L)] for k in range(KC)]
        m = lk[0]
        for k in range(1, KC):
            m = jnp.maximum(m, lk[k])
        ek = [jnp.exp(x - m) for x in lk]
        ssum = ek[0]
        for k in range(1, KC):
            ssum = ssum + ek[k]
        r = 1.0 / ssum
        for k in range(KC):
            out_v[pl.ds(off + k * 128, L)] = ek[k] * r
        return carry
    lax.fori_loop(0, 16, chunk, 0)
    pltpu.sync_copy(out_v, sel_hbm.at[pl.ds(base, TPW * KC)])


def _sel_head(lg_flat):
    mesh = plsc.VectorSubcoreMesh(core_axis_name="c", subcore_axis_name="s",
                                  num_cores=NC, num_subcores=NS)
    return pl.kernel(
        _sel_body,
        out_type=jax.ShapeDtypeStruct((T * KC,), jnp.float32),
        mesh=mesh,
        compiler_params=_SC_PARAMS,
        scratch_types=[
            pltpu.VMEM((TPW * KC,), jnp.float32),
            pltpu.VMEM((TPW * KC,), jnp.float32),
            pltpu.SemaphoreType.DMA,
        ],
    )(lg_flat)


def _route_body(xt_ref, compT_ref):
    lg = [xt_ref[pl.ds(k, 1), :] for k in range(KC)]
    am = jnp.zeros((1, BT), jnp.int32)
    bm = lg[0]
    for k in range(1, KC):
        gt = lg[k] > bm
        am = jnp.where(gt, k, am)
        bm = jnp.maximum(bm, lg[k])
    for rr in range(0, 2 * DC, RC):
        acc = jnp.where(am == 0, xt_ref[pl.ds(KC + rr, RC), :], 0.0)
        for a in range(1, KC):
            acc = jnp.where(am == a,
                            xt_ref[pl.ds(KC + 2 * DC * a + rr, RC), :], acc)
        compT_ref[pl.ds(rr, RC), :] = acc


def _route(xt):
    return pl.pallas_call(
        _route_body,
        grid=(T // BT,),
        in_specs=[pl.BlockSpec((CW, BT), lambda i: (0, i))],
        out_specs=pl.BlockSpec((2 * DC, BT), lambda i: (0, i)),
        out_shape=jax.ShapeDtypeStruct((2 * DC, T), jnp.float32),
    )(xt)


def _sample_body(compT_ref, eps_ref, comp_ref, out_ref):
    cb = jnp.transpose(compT_ref[...])
    comp_ref[...] = cb
    mean = cb[:, :DC]
    logvar = cb[:, DC:]
    out_ref[...] = mean + jnp.exp(0.5 * logvar) * eps_ref[...]


def _sample(compT, eps):
    return pl.pallas_call(
        _sample_body,
        grid=(T // BT,),
        in_specs=[pl.BlockSpec((2 * DC, BT), lambda i: (0, i)),
                  pl.BlockSpec((BT, DC), lambda i: (i, 0))],
        out_specs=[pl.BlockSpec((BT, 2 * DC), lambda i: (i, 0)),
                   pl.BlockSpec((BT, DC), lambda i: (i, 0))],
        out_shape=[jax.ShapeDtypeStruct((T, 2 * DC), jnp.float32),
                   jax.ShapeDtypeStruct((T, DC), jnp.float32)],
    )(compT, eps)


def kernel(raw_params):
    xt = raw_params.T
    lg_flat = (xt[:KC, :].reshape(KC, T // 128, 128)
               .transpose(1, 0, 2).reshape(T * KC))
    sel_flat = _sel_head(lg_flat)
    selector_params = (sel_flat.reshape(T // 128, KC, 128)
                       .transpose(1, 0, 2).reshape(KC, T)).T
    compT = _route(xt)
    eps = jax.random.normal(jax.random.key(42), (T, DC), dtype=jnp.float32)
    component_params, samples = _sample(compT, eps)
    return (selector_params, component_params, samples)

# --- scband reference (transcript-rebuilt; emitter-appended) ---
"""Pipeline reference for scband-discrete-mixture-13486197309815 (READ-ONLY COPY).

The authoritative reference and input builder live on the scoring server;
editing this copy changes nothing except your own understanding.
"""

import jax, jax.numpy as jnp
import numpy as np

K = 8            # number of mixture components (experts)
D_COMP = 256     # gaussian latent dim; component param_dims = [256, 256] (mean, logvar)
T = 8192         # tokens = batch(2) * seq(4096)
PARAM_DIMS = [K] + [2 * D_COMP] * K
SPLIT_IDX = list(np.cumsum(PARAM_DIMS)[:-1])


def setup_inputs(seed: int = 0) -> dict:
    key = jax.random.key(seed)
    raw_params = jax.random.normal(key, (T, K + K * 2 * D_COMP), dtype=jnp.float32)
    return {"raw_params": raw_params}


def reference(raw_params):
    # split raw params: [selector logits (K)] + K blocks of component params (2*D_COMP each)
    parts = jnp.split(raw_params, SPLIT_IDX, axis=-1)
    raw_selector_params = parts[0]                       # [T, K]
    # selector MCEstimator: categorical; params = softmax probs, sample = MAP component index
    selector_params = jax.nn.softmax(raw_selector_params, axis=-1)
    selected_components = jnp.argmax(raw_selector_params, axis=-1)   # int [T]
    # stack per-component raw params: [K, T, 2*D_COMP]
    raw_component_params = jnp.stack(parts[1:], axis=0)
    # gather the selected component's params for each token (routing gather)
    sel = jnp.take_along_axis(
        raw_component_params,
        selected_components[None, :, None],
        axis=0,
    )[0]                                                  # [T, 2*D_COMP]
    # component MCEstimator: diagonal gaussian with reparameterized sample
    mean, logvar = jnp.split(sel, 2, axis=-1)
    std = jnp.exp(0.5 * logvar)
    eps = jax.random.normal(jax.random.key(42), mean.shape, dtype=mean.dtype)
    samples = mean + std * eps
    component_params = jnp.concatenate([mean, logvar], axis=-1)
    return (selector_params, component_params, samples)

if __name__ == "__main__":
    import jax
    _d = setup_inputs()
    print(jax.jit(kernel)(*tuple(_d.values())))

</pallas_src>

<mosaic_0001>
#map = affine_map<(d0, d1) -> (0)>
module attributes {stable_mosaic.version = 14 : i64} {
  func.func @_sel_body(%arg0: i32, %arg1: i32, %arg2: memref<65536xf32, #tpu.memory_space<hbm>>, %arg3: memref<65536xf32, #tpu.memory_space<hbm>>, %arg4: memref<2048xf32, #tpu.memory_space<vmem>>, %arg5: memref<2048xf32, #tpu.memory_space<vmem>>, %arg6: memref<!tpu.dma_semaphore, #tpu.memory_space<semaphore_mem>>) attributes {dimension_semantics = [#tpu.dimension_semantics<core_parallel>, #tpu.dimension_semantics<subcore_parallel>], iteration_bounds = array<i64: 2, 16>, scalar_prefetch = 0 : i64, scratch_operands = 3 : i64, tpu.core_type = #tpu.core_type<sc_vector_subcore>, window_params = [{transform_indices = #map}, {transform_indices = #map}]} {
    %mul3A = arith.constant 2 : i32
    %mul3A_0 = arith.muli %arg1, %mul3A : i32
    %add3A = arith.addi %mul3A_0, %arg0 : i32
    %mul3A_1 = arith.constant 2048 : i32
    %mul3A_2 = arith.muli %add3A, %mul3A_1 : i32
    "tpu.region"() ({
      %run_scoped3A = tpu.sem_alloc : memref<!tpu.dma_semaphore, #tpu.memory_space<semaphore_mem>>
      %dma_start3A = tpu.memref_slice %arg2[%mul3A_2] : memref<65536xf32, #tpu.memory_space<hbm>> -> memref<2048xf32, #tpu.memory_space<hbm>>
      %dma_start3A_8 = tpu.memref_slice %arg2[%mul3A_2] : memref<65536xf32, #tpu.memory_space<hbm>> -> memref<2048xf32, #tpu.memory_space<hbm>>
      tpu.enqueue_dma source(%dma_start3A_8 : memref<2048xf32, #tpu.memory_space<hbm>>) target(%arg4 : memref<2048xf32, #tpu.memory_space<vmem>>) target_semaphore(%run_scoped3A : memref<!tpu.dma_semaphore, #tpu.memory_space<semaphore_mem>>)
      %dma_wait3A = tpu.memref_slice %arg2[%mul3A_2] : memref<65536xf32, #tpu.memory_space<hbm>> -> memref<2048xf32, #tpu.memory_space<hbm>>
      %dma_wait3A_9 = tpu.memref_slice %arg2[%mul3A_2] : memref<65536xf32, #tpu.memory_space<hbm>> -> memref<2048xf32, #tpu.memory_space<hbm>>
      tpu.wait_dma2 semaphore(%run_scoped3A : memref<!tpu.dma_semaphore, #tpu.memory_space<semaphore_mem>>) src(%dma_wait3A_9 : memref<2048xf32, #tpu.memory_space<hbm>>) dst(%arg4 : memref<2048xf32, #tpu.memory_space<vmem>>)
      tpu.yield
    }) : () -> ()
    %scan3A = arith.constant 0 : i32
    %scan3A_3 = arith.constant 0 : i32
    %scan3A_4 = arith.constant 16 : i32
    %scan3A_5 = arith.addi %scan3A_3, %scan3A_4 : i32
    %scan3A_6 = arith.constant 1 : i32
    scf.for %scan3A_8 = %scan3A_3 to %scan3A_5 step %scan3A_6  : i32 {
      %jit3A = arith.constant 8 : i32
      %div3A = arith.divsi %scan3A_8, %jit3A : i32
      %sign3A = arith.constant 0 : i32
      %sign3A_9 = arith.cmpi sgt, %scan3A_8, %sign3A : i32
      %sign3A_10 = arith.extui %sign3A_9 : i1 to i32
      %sign3A_11 = arith.constant 0 : i32
      %sign3A_12 = arith.cmpi slt, %scan3A_8, %sign3A_11 : i32
      %sign3A_13 = arith.extui %sign3A_12 : i1 to i32
      %sign3A_14 = arith.subi %sign3A_10, %sign3A_13 : i32
      %sign3A_15 = arith.constant 0 : i32
      %sign3A_16 = arith.cmpi sgt, %jit3A, %sign3A_15 : i32
      %sign3A_17 = arith.extui %sign3A_16 : i1 to i32
      %sign3A_18 = arith.constant 0 : i32
      %sign3A_19 = arith.cmpi slt, %jit3A, %sign3A_18 : i32
      %sign3A_20 = arith.extui %sign3A_19 : i1 to i32
      %sign3A_21 = arith.subi %sign3A_17, %sign3A_20 : i32
      %ne3A = arith.cmpi ne, %sign3A_14, %sign3A_21 : i32
      %rem3A = arith.remsi %scan3A_8, %jit3A : i32
      %ne3A_22 = arith.constant 0 : i32
      %ne3A_23 = arith.cmpi ne, %rem3A, %ne3A_22 : i32
      %and3A = arith.andi %ne3A, %ne3A_23 : i1
      %sub3A = arith.constant 1 : i32
      %sub3A_24 = arith.subi %div3A, %sub3A : i32
      %select_n3A = arith.select %and3A, %sub3A_24, %div3A : i32
      %jit3A_25 = arith.constant 8 : i32
      %eq3A = arith.constant 0 : i32
      %eq3A_26 = arith.cmpi eq, %jit3A_25, %eq3A : i32
      %jit3A_27 = arith.constant 1 : i32
      %select_n3A_28 = arith.select %eq3A_26, %jit3A_27, %jit3A_25 : i32
      %rem3A_29 = arith.remsi %scan3A_8, %select_n3A_28 : i32
      %ne3A_30 = arith.constant 0 : i32
      %ne3A_31 = arith.cmpi ne, %rem3A_29, %ne3A_30 : i32
      %lt3A = arith.constant 0 : i32
      %lt3A_32 = arith.cmpi slt, %rem3A_29, %lt3A : i32
      %lt3A_33 = arith.constant 0 : i32
      %lt3A_34 = arith.cmpi slt, %select_n3A_28, %lt3A_33 : i32
      %ne3A_35 = arith.xori %lt3A_32, %lt3A_34 : i1
      %and3A_36 = arith.andi %ne3A_35, %ne3A_31 : i1
      %add3A_37 = arith.addi %rem3A_29, %select_n3A_28 : i32
      %select_n3A_38 = arith.select %and3A_36, %add3A_37, %rem3A_29 : i32
      %mul3A_39 = arith.constant 1024 : i32
      %mul3A_40 = arith.muli %select_n3A, %mul3A_39 : i32
      %mul3A_41 = arith.constant 16 : i32
      %mul3A_42 = arith.muli %select_n3A_38, %mul3A_41 : i32
      %add3A_43 = arith.addi %mul3A_40, %mul3A_42 : i32
      %add3A_44 = arith.constant 0 : i32
      %add3A_45 = arith.addi %add3A_43, %add3A_44 : i32
      %get3A = arith.index_cast %add3A_45 : i32 to index
      %get3A_46 = tpu.vector_load %arg4[%get3A] {strides = array<i32>} : memref<2048xf32, #tpu.memory_space<vmem>>, vector<16xf32>,
      %add3A_47 = arith.constant 128 : i32
      %add3A_48 = arith.addi %add3A_43, %add3A_47 : i32
      %get3A_49 = arith.index_cast %add3A_48 : i32 to index
      %get3A_50 = tpu.vector_load %arg4[%get3A_49] {strides = array<i32>} : memref<2048xf32, #tpu.memory_space<vmem>>, vector<16xf32>,
      %add3A_51 = arith.constant 256 : i32
      %add3A_52 = arith.addi %add3A_43, %add3A_51 : i32
      %get3A_53 = arith.index_cast %add3A_52 : i32 to index
      %get3A_54 = tpu.vector_load %arg4[%get3A_53] {strides = array<i32>} : memref<2048xf32, #tpu.memory_space<vmem>>, vector<16xf32>,
      %add3A_55 = arith.constant 384 : i32
      %add3A_56 = arith.addi %add3A_43, %add3A_55 : i32
      %get3A_57 = arith.index_cast %add3A_56 : i32 to index
      %get3A_58 = tpu.vector_load %arg4[%get3A_57] {strides = array<i32>} : memref<2048xf32, #tpu.memory_space<vmem>>, vector<16xf32>,
      %add3A_59 = arith.constant 512 : i32
      %add3A_60 = arith.addi %add3A_43, %add3A_59 : i32
      %get3A_61 = arith.index_cast %add3A_60 : i32 to index
      %get3A_62 = tpu.vector_load %arg4[%get3A_61] {strides = array<i32>} : memref<2048xf32, #tpu.memory_space<vmem>>, vector<16xf32>,
      %add3A_63 = arith.constant 640 : i32
      %add3A_64 = arith.addi %add3A_43, %add3A_63 : i32
      %get3A_65 = arith.index_cast %add3A_64 : i32 to index
      %get3A_66 = tpu.vector_load %arg4[%get3A_65] {strides = array<i32>} : memref<2048xf32, #tpu.memory_space<vmem>>, vector<16xf32>,
      %add3A_67 = arith.constant 768 : i32
      %add3A_68 = arith.addi %add3A_43, %add3A_67 : i32
      %get3A_69 = arith.index_cast %add3A_68 : i32 to index
      %get3A_70 = tpu.vector_load %arg4[%get3A_69] {strides = array<i32>} : memref<2048xf32, #tpu.memory_space<vmem>>, vector<16xf32>,
      %add3A_71 = arith.constant 896 : i32
      %add3A_72 = arith.addi %add3A_43, %add3A_71 : i32
      %get3A_73 = arith.index_cast %add3A_72 : i32 to index
      %get3A_74 = tpu.vector_load %arg4[%get3A_73] {strides = array<i32>} : memref<2048xf32, #tpu.memory_space<vmem>>, vector<16xf32>,
      %max3A = arith.maximumf %get3A_46, %get3A_50 : vector<16xf32>
      %max3A_75 = arith.maximumf %max3A, %get3A_54 : vector<16xf32>
      %max3A_76 = arith.maximumf %max3A_75, %get3A_58 : vector<16xf32>
      %max3A_77 = arith.maximumf %max3A_76, %get3A_62 : vector<16xf32>
      %max3A_78 = arith.maximumf %max3A_77, %get3A_66 : vector<16xf32>
      %max3A_79 = arith.maximumf %max3A_78, %get3A_70 : vector<16xf32>
      %max3A_80 = arith.maximumf %max3A_79, %get3A_74 : vector<16xf32>
      %sub3A_81 = arith.subf %get3A_46, %max3A_80 : vector<16xf32>
      %exp3A = math.exp %sub3A_81 : vector<16xf32>
      %sub3A_82 = arith.subf %get3A_50, %max3A_80 : vector<16xf32>
      %exp3A_83 = math.exp %sub3A_82 : vector<16xf32>
      %sub3A_84 = arith.subf %get3A_54, %max3A_80 : vector<16xf32>
      %exp3A_85 = math.exp %sub3A_84 : vector<16xf32>
      %sub3A_86 = arith.subf %get3A_58, %max3A_80 : vector<16xf32>
      %exp3A_87 = math.exp %sub3A_86 : vector<16xf32>
      %sub3A_88 = arith.subf %get3A_62, %max3A_80 : vector<16xf32>
      %exp3A_89 = math.exp %sub3A_88 : vector<16xf32>
      %sub3A_90 = arith.subf %get3A_66, %max3A_80 : vector<16xf32>
      %exp3A_91 = math.exp %sub3A_90 : vector<16xf32>
      %sub3A_92 = arith.subf %get3A_70, %max3A_80 : vector<16xf32>
      %exp3A_93 = math.exp %sub3A_92 : vector<16xf32>
      %sub3A_94 = arith.subf %get3A_74, %max3A_80 : vector<16xf32>
      %exp3A_95 = math.exp %sub3A_94 : vector<16xf32>
      %add3A_96 = arith.addf %exp3A, %exp3A_83 : vector<16xf32>
      %add3A_97 = arith.addf %add3A_96, %exp3A_85 : vector<16xf32>
      %add3A_98 = arith.addf %add3A_97, %exp3A_87 : vector<16xf32>
      %add3A_99 = arith.addf %add3A_98, %exp3A_89 : vector<16xf32>
      %add3A_100 = arith.addf %add3A_99, %exp3A_91 : vector<16xf32>
      %add3A_101 = arith.addf %add3A_100, %exp3A_93 : vector<16xf32>
      %add3A_102 = arith.addf %add3A_101, %exp3A_95 : vector<16xf32>
      %div3A_103 = arith.constant 1.000000e+00 : f32
      %div3A_104 = vector.broadcast %div3A_103 : f32 to vector<16xf32>
      %div3A_105 = arith.divf %div3A_104, %add3A_102 : vector<16xf32>
      %mul3A_106 = arith.mulf %exp3A, %div3A_105 : vector<16xf32>
      %add3A_107 = arith.constant 0 : i32
      %add3A_108 = arith.addi %add3A_43, %add3A_107 : i32
      %swap3A = arith.index_cast %add3A_108 : i32 to index
      %swap3A_109 = tpu.vector_load %arg5[%swap3A] {strides = array<i32>} : memref<2048xf32, #tpu.memory_space<vmem>>, vector<16xf32>,
      tpu.vector_store %arg5[%swap3A], %mul3A_106 {strides = array<i32>} : memref<2048xf32, #tpu.memory_space<vmem>>, vector<16xf32>,
      %mul3A_110 = arith.mulf %exp3A_83, %div3A_105 : vector<16xf32>
      %add3A_111 = arith.constant 128 : i32
      %add3A_112 = arith.addi %add3A_43, %add3A_111 : i32
      %swap3A_113 = arith.index_cast %add3A_112 : i32 to index
      %swap3A_114 = tpu.vector_load %arg5[%swap3A_113] {strides = array<i32>} : memref<2048xf32, #tpu.memory_space<vmem>>, vector<16xf32>,
      tpu.vector_store %arg5[%swap3A_113], %mul3A_110 {strides = array<i32>} : memref<2048xf32, #tpu.memory_space<vmem>>, vector<16xf32>,
      %mul3A_115 = arith.mulf %exp3A_85, %div3A_105 : vector<16xf32>
      %add3A_116 = arith.constant 256 : i32
      %add3A_117 = arith.addi %add3A_43, %add3A_116 : i32
      %swap3A_118 = arith.index_cast %add3A_117 : i32 to index
      %swap3A_119 = tpu.vector_load %arg5[%swap3A_118] {strides = array<i32>} : memref<2048xf32, #tpu.memory_space<vmem>>, vector<16xf32>,
      tpu.vector_store %arg5[%swap3A_118], %mul3A_115 {strides = array<i32>} : memref<2048xf32, #tpu.memory_space<vmem>>, vector<16xf32>,
      %mul3A_120 = arith.mulf %exp3A_87, %div3A_105 : vector<16xf32>
      %add3A_121 = arith.constant 384 : i32
      %add3A_122 = arith.addi %add3A_43, %add3A_121 : i32
      %swap3A_123 = arith.index_cast %add3A_122 : i32 to index
      %swap3A_124 = tpu.vector_load %arg5[%swap3A_123] {strides = array<i32>} : memref<2048xf32, #tpu.memory_space<vmem>>, vector<16xf32>,
      tpu.vector_store %arg5[%swap3A_123], %mul3A_120 {strides = array<i32>} : memref<2048xf32, #tpu.memory_space<vmem>>, vector<16xf32>,
      %mul3A_125 = arith.mulf %exp3A_89, %div3A_105 : vector<16xf32>
      %add3A_126 = arith.constant 512 : i32
      %add3A_127 = arith.addi %add3A_43, %add3A_126 : i32
      %swap3A_128 = arith.index_cast %add3A_127 : i32 to index
      %swap3A_129 = tpu.vector_load %arg5[%swap3A_128] {strides = array<i32>} : memref<2048xf32, #tpu.memory_space<vmem>>, vector<16xf32>,
      tpu.vector_store %arg5[%swap3A_128], %mul3A_125 {strides = array<i32>} : memref<2048xf32, #tpu.memory_space<vmem>>, vector<16xf32>,
      %mul3A_130 = arith.mulf %exp3A_91, %div3A_105 : vector<16xf32>
      %add3A_131 = arith.constant 640 : i32
      %add3A_132 = arith.addi %add3A_43, %add3A_131 : i32
      %swap3A_133 = arith.index_cast %add3A_132 : i32 to index
      %swap3A_134 = tpu.vector_load %arg5[%swap3A_133] {strides = array<i32>} : memref<2048xf32, #tpu.memory_space<vmem>>, vector<16xf32>,
      tpu.vector_store %arg5[%swap3A_133], %mul3A_130 {strides = array<i32>} : memref<2048xf32, #tpu.memory_space<vmem>>, vector<16xf32>,
      %mul3A_135 = arith.mulf %exp3A_93, %div3A_105 : vector<16xf32>
      %add3A_136 = arith.constant 768 : i32
      %add3A_137 = arith.addi %add3A_43, %add3A_136 : i32
      %swap3A_138 = arith.index_cast %add3A_137 : i32 to index
      %swap3A_139 = tpu.vector_load %arg5[%swap3A_138] {strides = array<i32>} : memref<2048xf32, #tpu.memory_space<vmem>>, vector<16xf32>,
      tpu.vector_store %arg5[%swap3A_138], %mul3A_135 {strides = array<i32>} : memref<2048xf32, #tpu.memory_space<vmem>>, vector<16xf32>,
      %mul3A_140 = arith.mulf %exp3A_95, %div3A_105 : vector<16xf32>
      %add3A_141 = arith.constant 896 : i32
      %add3A_142 = arith.addi %add3A_43, %add3A_141 : i32
      %swap3A_143 = arith.index_cast %add3A_142 : i32 to index
      %swap3A_144 = tpu.vector_load %arg5[%swap3A_143] {strides = array<i32>} : memref<2048xf32, #tpu.memory_space<vmem>>, vector<16xf32>,
      tpu.vector_store %arg5[%swap3A_143], %mul3A_140 {strides = array<i32>} : memref<2048xf32, #tpu.memory_space<vmem>>, vector<16xf32>,
    }
    %scan3A_7 = arith.constant 16 : i32
    "tpu.region"() ({
      %run_scoped3A = tpu.sem_alloc : memref<!tpu.dma_semaphore, #tpu.memory_space<semaphore_mem>>
      %dma_start3A = tpu.memref_slice %arg3[%mul3A_2] : memref<65536xf32, #tpu.memory_space<hbm>> -> memref<2048xf32, #tpu.memory_space<hbm>>
      %dma_start3A_8 = tpu.memref_slice %arg3[%mul3A_2] : memref<65536xf32, #tpu.memory_space<hbm>> -> memref<2048xf32, #tpu.memory_space<hbm>>
      tpu.enqueue_dma source(%arg5 : memref<2048xf32, #tpu.memory_space<vmem>>) target(%dma_start3A_8 : memref<2048xf32, #tpu.memory_space<hbm>>) target_semaphore(%run_scoped3A : memref<!tpu.dma_semaphore, #tpu.memory_space<semaphore_mem>>)
      %dma_wait3A = tpu.memref_slice %arg3[%mul3A_2] : memref<65536xf32, #tpu.memory_space<hbm>> -> memref<2048xf32, #tpu.memory_space<hbm>>
      %dma_wait3A_9 = tpu.memref_slice %arg3[%mul3A_2] : memref<65536xf32, #tpu.memory_space<hbm>> -> memref<2048xf32, #tpu.memory_space<hbm>>
      tpu.wait_dma2 semaphore(%run_scoped3A : memref<!tpu.dma_semaphore, #tpu.memory_space<semaphore_mem>>) src(%arg5 : memref<2048xf32, #tpu.memory_space<vmem>>) dst(%dma_wait3A_9 : memref<2048xf32, #tpu.memory_space<hbm>>)
      tpu.yield
    }) : () -> ()
    return
  }
}

module attributes {stable_mosaic.version = 14 : i64} {
  func.func @_sample_body(%arg0: i32, %arg1: memref<512x256xf32, #tpu.memory_space<vmem>>, %arg2: memref<256x256xf32, #tpu.memory_space<vmem>>, %arg3: memref<256x512xf32, #tpu.memory_space<vmem>>, %arg4: memref<256x256xf32, #tpu.memory_space<vmem>>) attributes {dimension_semantics = [#tpu.dimension_semantics<arbitrary>], iteration_bounds = array<i64: 32>, scalar_prefetch = 0 : i64, scratch_operands = 0 : i64, tpu.core_type = #tpu.core_type<tc>, window_params = [{transform_indices = @transform_0, window_bounds = array<i64: 512, 256>}, {transform_indices = @transform_1, window_bounds = array<i64: 256, 256>}, {transform_indices = @transform_2, window_bounds = array<i64: 256, 512>}, {transform_indices = @transform_3, window_bounds = array<i64: 256, 256>}]} {
    %get3A = arith.constant 0 : index
    %get3A_0 = arith.constant 0 : index
    %get3A_1 = vector.load %arg1[%get3A, %get3A_0] : memref<512x256xf32, #tpu.memory_space<vmem>>, vector<512x256xf32>
    %transpose3A = tpu.transpose %get3A_1, [1, 0] : vector<512x256xf32> -> vector<256x512xf32>
    %swap3A = arith.constant 0 : index
    %swap3A_2 = arith.constant 0 : index
    %swap3A_3 = vector.load %arg3[%swap3A, %swap3A_2] : memref<256x512xf32, #tpu.memory_space<vmem>>, vector<256x512xf32>
    tpu.vector_store %arg3[%swap3A, %swap3A_2], %transpose3A {strides = array<i32>} : memref<256x512xf32, #tpu.memory_space<vmem>>, vector<256x512xf32>,
    %slice3A = vector.extract_strided_slice %transpose3A {offsets = [0, 0], sizes = [256, 256], strides = [1, 1]} : vector<256x512xf32> to vector<256x256xf32>
    %slice3A_4 = vector.extract_strided_slice %transpose3A {offsets = [0, 256], sizes = [256, 256], strides = [1, 1]} : vector<256x512xf32> to vector<256x256xf32>
    %mul3A = arith.constant 5.000000e-01 : f32
    %mul3A_5 = vector.broadcast %mul3A : f32 to vector<256x256xf32>
    %mul3A_6 = arith.mulf %mul3A_5, %slice3A_4 : vector<256x256xf32>
    %exp3A = math.exp %mul3A_6 : vector<256x256xf32>
    %get3A_7 = arith.constant 0 : index
    %get3A_8 = arith.constant 0 : index
    %get3A_9 = vector.load %arg2[%get3A_7, %get3A_8] : memref<256x256xf32, #tpu.memory_space<vmem>>, vector<256x256xf32>
    %mul3A_10 = arith.mulf %exp3A, %get3A_9 : vector<256x256xf32>
    %add3A = arith.addf %slice3A, %mul3A_10 : vector<256x256xf32>
    %swap3A_11 = arith.constant 0 : index
    %swap3A_12 = arith.constant 0 : index
    %swap3A_13 = vector.load %arg4[%swap3A_11, %swap3A_12] : memref<256x256xf32, #tpu.memory_space<vmem>>, vector<256x256xf32>
    tpu.vector_store %arg4[%swap3A_11, %swap3A_12], %add3A {strides = array<i32>} : memref<256x256xf32, #tpu.memory_space<vmem>>, vector<256x256xf32>,
    return
  }
  func.func @transform_0(%arg0: i32) -> (i32, i32) {
    %c0_i32 = arith.constant 0 : i32
    %c0_i32_0 = arith.constant 0 : i32
    return %c0_i32, %arg0 : i32, i32
  }
  func.func @transform_1(%arg0: i32) -> (i32, i32) {
    %c0_i32 = arith.constant 0 : i32
    %c0_i32_0 = arith.constant 0 : i32
    return %arg0, %c0_i32 : i32, i32
  }
  func.func @transform_2(%arg0: i32) -> (i32, i32) {
    %c0_i32 = arith.constant 0 : i32
    %c0_i32_0 = arith.constant 0 : i32
    return %arg0, %c0_i32 : i32, i32
  }
  func.func @transform_3(%arg0: i32) -> (i32, i32) {
    %c0_i32 = arith.constant 0 : i32
    %c0_i32_0 = arith.constant 0 : i32
    return %arg0, %c0_i32 : i32, i32
  }
}

module attributes {stable_mosaic.version = 14 : i64} {
  func.func @_route_body(%arg0: i32, %arg1: memref<4104x256xf32, #tpu.memory_space<vmem>>, %arg2: memref<512x256xf32, #tpu.memory_space<vmem>>) attributes {dimension_semantics = [#tpu.dimension_semantics<arbitrary>], iteration_bounds = array<i64: 32>, scalar_prefetch = 0 : i64, scratch_operands = 0 : i64, tpu.core_type = #tpu.core_type<tc>, window_params = [{transform_indices = @transform_0, window_bounds = array<i64: 4104, 256>}, {transform_indices = @transform_1, window_bounds = array<i64: 512, 256>}]} {
    %get3A = arith.constant 0 : index
    %get3A_0 = arith.constant 0 : index
    %get3A_1 = vector.load %arg1[%get3A, %get3A_0] : memref<4104x256xf32, #tpu.memory_space<vmem>>, vector<1x256xf32>
    %get3A_2 = arith.constant 1 : index
    %get3A_3 = arith.constant 0 : index
    %get3A_4 = vector.load %arg1[%get3A_2, %get3A_3] : memref<4104x256xf32, #tpu.memory_space<vmem>>, vector<1x256xf32>
    %get3A_5 = arith.constant 2 : index
    %get3A_6 = arith.constant 0 : index
    %get3A_7 = vector.load %arg1[%get3A_5, %get3A_6] : memref<4104x256xf32, #tpu.memory_space<vmem>>, vector<1x256xf32>
    %get3A_8 = arith.constant 3 : index
    %get3A_9 = arith.constant 0 : index
    %get3A_10 = vector.load %arg1[%get3A_8, %get3A_9] : memref<4104x256xf32, #tpu.memory_space<vmem>>, vector<1x256xf32>
    %get3A_11 = arith.constant 4 : index
    %get3A_12 = arith.constant 0 : index
    %get3A_13 = vector.load %arg1[%get3A_11, %get3A_12] : memref<4104x256xf32, #tpu.memory_space<vmem>>, vector<1x256xf32>
    %get3A_14 = arith.constant 5 : index
    %get3A_15 = arith.constant 0 : index
    %get3A_16 = vector.load %arg1[%get3A_14, %get3A_15] : memref<4104x256xf32, #tpu.memory_space<vmem>>, vector<1x256xf32>
    %get3A_17 = arith.constant 6 : index
    %get3A_18 = arith.constant 0 : index
    %get3A_19 = vector.load %arg1[%get3A_17, %get3A_18] : memref<4104x256xf32, #tpu.memory_space<vmem>>, vector<1x256xf32>
    %get3A_20 = arith.constant 7 : index
    %get3A_21 = arith.constant 0 : index
    %get3A_22 = vector.load %arg1[%get3A_20, %get3A_21] : memref<4104x256xf32, #tpu.memory_space<vmem>>, vector<1x256xf32>
    %broadcast_in_dim3A = arith.constant 0 : i32
    %broadcast_in_dim3A_23 = vector.broadcast %broadcast_in_dim3A : i32 to vector<1x256xi32>
    %gt3A = arith.cmpf ogt, %get3A_4, %get3A_1 : vector<1x256xf32>
    %jit3A = arith.constant 1 : i32
    %broadcast_in_dim3A_24 = vector.broadcast %jit3A : i32 to vector<1x256xi32>
    %select_n3A = arith.select %gt3A, %broadcast_in_dim3A_24, %broadcast_in_dim3A_23 : vector<1x256xi1>, vector<1x256xi32>
    %max3A = arith.maximumf %get3A_1, %get3A_4 : vector<1x256xf32>
    %gt3A_25 = arith.cmpf ogt, %get3A_7, %max3A : vector<1x256xf32>
    %jit3A_26 = arith.constant 2 : i32
    %broadcast_in_dim3A_27 = vector.broadcast %jit3A_26 : i32 to vector<1x256xi32>
    %select_n3A_28 = arith.select %gt3A_25, %broadcast_in_dim3A_27, %select_n3A : vector<1x256xi1>, vector<1x256xi32>
    %max3A_29 = arith.maximumf %max3A, %get3A_7 : vector<1x256xf32>
    %gt3A_30 = arith.cmpf ogt, %get3A_10, %max3A_29 : vector<1x256xf32>
    %jit3A_31 = arith.constant 3 : i32
    %broadcast_in_dim3A_32 = vector.broadcast %jit3A_31 : i32 to vector<1x256xi32>
    %select_n3A_33 = arith.select %gt3A_30, %broadcast_in_dim3A_32, %select_n3A_28 : vector<1x256xi1>, vector<1x256xi32>
    %max3A_34 = arith.maximumf %max3A_29, %get3A_10 : vector<1x256xf32>
    %gt3A_35 = arith.cmpf ogt, %get3A_13, %max3A_34 : vector<1x256xf32>
    %jit3A_36 = arith.constant 4 : i32
    %broadcast_in_dim3A_37 = vector.broadcast %jit3A_36 : i32 to vector<1x256xi32>
    %select_n3A_38 = arith.select %gt3A_35, %broadcast_in_dim3A_37, %select_n3A_33 : vector<1x256xi1>, vector<1x256xi32>
    %max3A_39 = arith.maximumf %max3A_34, %get3A_13 : vector<1x256xf32>
    %gt3A_40 = arith.cmpf ogt, %get3A_16, %max3A_39 : vector<1x256xf32>
    %jit3A_41 = arith.constant 5 : i32
    %broadcast_in_dim3A_42 = vector.broadcast %jit3A_41 : i32 to vector<1x256xi32>
    %select_n3A_43 = arith.select %gt3A_40, %broadcast_in_dim3A_42, %select_n3A_38 : vector<1x256xi1>, vector<1x256xi32>
    %max3A_44 = arith.maximumf %max3A_39, %get3A_16 : vector<1x256xf32>
    %gt3A_45 = arith.cmpf ogt, %get3A_19, %max3A_44 : vector<1x256xf32>
    %jit3A_46 = arith.constant 6 : i32
    %broadcast_in_dim3A_47 = vector.broadcast %jit3A_46 : i32 to vector<1x256xi32>
    %select_n3A_48 = arith.select %gt3A_45, %broadcast_in_dim3A_47, %select_n3A_43 : vector<1x256xi1>, vector<1x256xi32>
    %max3A_49 = arith.maximumf %max3A_44, %get3A_19 : vector<1x256xf32>
    %gt3A_50 = arith.cmpf ogt, %get3A_22, %max3A_49 : vector<1x256xf32>
    %jit3A_51 = arith.constant 7 : i32
    %broadcast_in_dim3A_52 = vector.broadcast %jit3A_51 : i32 to vector<1x256xi32>
    %select_n3A_53 = arith.select %gt3A_50, %broadcast_in_dim3A_52, %select_n3A_48 : vector<1x256xi1>, vector<1x256xi32>
    %eq3A = arith.constant 0 : i32
    %eq3A_54 = vector.broadcast %eq3A : i32 to vector<1x256xi32>
    %eq3A_55 = arith.cmpi eq, %select_n3A_53, %eq3A_54 : vector<1x256xi32>
    %get3A_56 = arith.constant 8 : index
    %get3A_57 = arith.constant 0 : index
    %get3A_58 = vector.load %arg1[%get3A_56, %get3A_57] : memref<4104x256xf32, #tpu.memory_space<vmem>>, vector<64x256xf32>
    %jit3A_59 = arith.constant 0.000000e+00 : f32
    %broadcast_in_dim3A_60 = vector.shape_cast %eq3A_55 : vector<1x256xi1> to vector<1x256xi1>
    %broadcast_in_dim3A_61 = vector.broadcast %broadcast_in_dim3A_60 : vector<1x256xi1> to vector<64x256xi1>
    %broadcast_in_dim3A_62 = vector.broadcast %jit3A_59 : f32 to vector<64x256xf32>
    %select_n3A_63 = arith.select %broadcast_in_dim3A_61, %get3A_58, %broadcast_in_dim3A_62 : vector<64x256xi1>, vector<64x256xf32>
    %eq3A_64 = arith.constant 1 : i32
    %eq3A_65 = vector.broadcast %eq3A_64 : i32 to vector<1x256xi32>
    %eq3A_66 = arith.cmpi eq, %select_n3A_53, %eq3A_65 : vector<1x256xi32>
    %get3A_67 = arith.constant 520 : index
    %get3A_68 = arith.constant 0 : index
    %get3A_69 = vector.load %arg1[%get3A_67, %get3A_68] : memref<4104x256xf32, #tpu.memory_space<vmem>>, vector<64x256xf32>
    %broadcast_in_dim3A_70 = vector.shape_cast %eq3A_66 : vector<1x256xi1> to vector<1x256xi1>
    %broadcast_in_dim3A_71 = vector.broadcast %broadcast_in_dim3A_70 : vector<1x256xi1> to vector<64x256xi1>
    %select_n3A_72 = arith.select %broadcast_in_dim3A_71, %get3A_69, %select_n3A_63 : vector<64x256xi1>, vector<64x256xf32>
    %eq3A_73 = arith.constant 2 : i32
    %eq3A_74 = vector.broadcast %eq3A_73 : i32 to vector<1x256xi32>
    %eq3A_75 = arith.cmpi eq, %select_n3A_53, %eq3A_74 : vector<1x256xi32>
    %get3A_76 = arith.constant 1032 : index
    %get3A_77 = arith.constant 0 : index
    %get3A_78 = vector.load %arg1[%get3A_76, %get3A_77] : memref<4104x256xf32, #tpu.memory_space<vmem>>, vector<64x256xf32>
    %broadcast_in_dim3A_79 = vector.shape_cast %eq3A_75 : vector<1x256xi1> to vector<1x256xi1>
    %broadcast_in_dim3A_80 = vector.broadcast %broadcast_in_dim3A_79 : vector<1x256xi1> to vector<64x256xi1>
    %select_n3A_81 = arith.select %broadcast_in_dim3A_80, %get3A_78, %select_n3A_72 : vector<64x256xi1>, vector<64x256xf32>
    %eq3A_82 = arith.constant 3 : i32
    %eq3A_83 = vector.broadcast %eq3A_82 : i32 to vector<1x256xi32>
    %eq3A_84 = arith.cmpi eq, %select_n3A_53, %eq3A_83 : vector<1x256xi32>
    %get3A_85 = arith.constant 1544 : index
    %get3A_86 = arith.constant 0 : index
    %get3A_87 = vector.load %arg1[%get3A_85, %get3A_86] : memref<4104x256xf32, #tpu.memory_space<vmem>>, vector<64x256xf32>
    %broadcast_in_dim3A_88 = vector.shape_cast %eq3A_84 : vector<1x256xi1> to vector<1x256xi1>
    %broadcast_in_dim3A_89 = vector.broadcast %broadcast_in_dim3A_88 : vector<1x256xi1> to vector<64x256xi1>
    %select_n3A_90 = arith.select %broadcast_in_dim3A_89, %get3A_87, %select_n3A_81 : vector<64x256xi1>, vector<64x256xf32>
    %eq3A_91 = arith.constant 4 : i32
    %eq3A_92 = vector.broadcast %eq3A_91 : i32 to vector<1x256xi32>
    %eq3A_93 = arith.cmpi eq, %select_n3A_53, %eq3A_92 : vector<1x256xi32>
    %get3A_94 = arith.constant 2056 : index
    %get3A_95 = arith.constant 0 : index
    %get3A_96 = vector.load %arg1[%get3A_94, %get3A_95] : memref<4104x256xf32, #tpu.memory_space<vmem>>, vector<64x256xf32>
    %broadcast_in_dim3A_97 = vector.shape_cast %eq3A_93 : vector<1x256xi1> to vector<1x256xi1>
    %broadcast_in_dim3A_98 = vector.broadcast %broadcast_in_dim3A_97 : vector<1x256xi1> to vector<64x256xi1>
    %select_n3A_99 = arith.select %broadcast_in_dim3A_98, %get3A_96, %select_n3A_90 : vector<64x256xi1>, vector<64x256xf32>
    %eq3A_100 = arith.constant 5 : i32
    %eq3A_101 = vector.broadcast %eq3A_100 : i32 to vector<1x256xi32>
    %eq3A_102 = arith.cmpi eq, %select_n3A_53, %eq3A_101 : vector<1x256xi32>
    %get3A_103 = arith.constant 2568 : index
    %get3A_104 = arith.constant 0 : index
    %get3A_105 = vector.load %arg1[%get3A_103, %get3A_104] : memref<4104x256xf32, #tpu.memory_space<vmem>>, vector<64x256xf32>
    %broadcast_in_dim3A_106 = vector.shape_cast %eq3A_102 : vector<1x256xi1> to vector<1x256xi1>
    %broadcast_in_dim3A_107 = vector.broadcast %broadcast_in_dim3A_106 : vector<1x256xi1> to vector<64x256xi1>
    %select_n3A_108 = arith.select %broadcast_in_dim3A_107, %get3A_105, %select_n3A_99 : vector<64x256xi1>, vector<64x256xf32>
    %eq3A_109 = arith.constant 6 : i32
    %eq3A_110 = vector.broadcast %eq3A_109 : i32 to vector<1x256xi32>
    %eq3A_111 = arith.cmpi eq, %select_n3A_53, %eq3A_110 : vector<1x256xi32>
    %get3A_112 = arith.constant 3080 : index
    %get3A_113 = arith.constant 0 : index
    %get3A_114 = vector.load %arg1[%get3A_112, %get3A_113] : memref<4104x256xf32, #tpu.memory_space<vmem>>, vector<64x256xf32>
    %broadcast_in_dim3A_115 = vector.shape_cast %eq3A_111 : vector<1x256xi1> to vector<1x256xi1>
    %broadcast_in_dim3A_116 = vector.broadcast %broadcast_in_dim3A_115 : vector<1x256xi1> to vector<64x256xi1>
    %select_n3A_117 = arith.select %broadcast_in_dim3A_116, %get3A_114, %select_n3A_108 : vector<64x256xi1>, vector<64x256xf32>
    %eq3A_118 = arith.constant 7 : i32
    %eq3A_119 = vector.broadcast %eq3A_118 : i32 to vector<1x256xi32>
    %eq3A_120 = arith.cmpi eq, %select_n3A_53, %eq3A_119 : vector<1x256xi32>
    %get3A_121 = arith.constant 3592 : index
    %get3A_122 = arith.constant 0 : index
    %get3A_123 = vector.load %arg1[%get3A_121, %get3A_122] : memref<4104x256xf32, #tpu.memory_space<vmem>>, vector<64x256xf32>
    %broadcast_in_dim3A_124 = vector.shape_cast %eq3A_120 : vector<1x256xi1> to vector<1x256xi1>
    %broadcast_in_dim3A_125 = vector.broadcast %broadcast_in_dim3A_124 : vector<1x256xi1> to vector<64x256xi1>
    %select_n3A_126 = arith.select %broadcast_in_dim3A_125, %get3A_123, %select_n3A_117 : vector<64x256xi1>, vector<64x256xf32>
    %swap3A = arith.constant 0 : index
    %swap3A_127 = arith.constant 0 : index
    %swap3A_128 = vector.load %arg2[%swap3A, %swap3A_127] : memref<512x256xf32, #tpu.memory_space<vmem>>, vector<64x256xf32>
    tpu.vector_store %arg2[%swap3A, %swap3A_127], %select_n3A_126 {strides = array<i32>} : memref<512x256xf32, #tpu.memory_space<vmem>>, vector<64x256xf32>,
    %eq3A_129 = arith.constant 0 : i32
    %eq3A_130 = vector.broadcast %eq3A_129 : i32 to vector<1x256xi32>
    %eq3A_131 = arith.cmpi eq, %select_n3A_53, %eq3A_130 : vector<1x256xi32>
    %get3A_132 = arith.constant 72 : index
    %get3A_133 = arith.constant 0 : index
    %get3A_134 = vector.load %arg1[%get3A_132, %get3A_133] : memref<4104x256xf32, #tpu.memory_space<vmem>>, vector<64x256xf32>
    %jit3A_135 = arith.constant 0.000000e+00 : f32
    %broadcast_in_dim3A_136 = vector.shape_cast %eq3A_131 : vector<1x256xi1> to vector<1x256xi1>
    %broadcast_in_dim3A_137 = vector.broadcast %broadcast_in_dim3A_136 : vector<1x256xi1> to vector<64x256xi1>
    %broadcast_in_dim3A_138 = vector.broadcast %jit3A_135 : f32 to vector<64x256xf32>
    %select_n3A_139 = arith.select %broadcast_in_dim3A_137, %get3A_134, %broadcast_in_dim3A_138 : vector<64x256xi1>, vector<64x256xf32>
    %eq3A_140 = arith.constant 1 : i32
    %eq3A_141 = vector.broadcast %eq3A_140 : i32 to vector<1x256xi32>
    %eq3A_142 = arith.cmpi eq, %select_n3A_53, %eq3A_141 : vector<1x256xi32>
    %get3A_143 = arith.constant 584 : index
    %get3A_144 = arith.constant 0 : index
    %get3A_145 = vector.load %arg1[%get3A_143, %get3A_144] : memref<4104x256xf32, #tpu.memory_space<vmem>>, vector<64x256xf32>
    %broadcast_in_dim3A_146 = vector.shape_cast %eq3A_142 : vector<1x256xi1> to vector<1x256xi1>
    %broadcast_in_dim3A_147 = vector.broadcast %broadcast_in_dim3A_146 : vector<1x256xi1> to vector<64x256xi1>
    %select_n3A_148 = arith.select %broadcast_in_dim3A_147, %get3A_145, %select_n3A_139 : vector<64x256xi1>, vector<64x256xf32>
    %eq3A_149 = arith.constant 2 : i32
    %eq3A_150 = vector.broadcast %eq3A_149 : i32 to vector<1x256xi32>
    %eq3A_151 = arith.cmpi eq, %select_n3A_53, %eq3A_150 : vector<1x256xi32>
    %get3A_152 = arith.constant 1096 : index
    %get3A_153 = arith.constant 0 : index
    %get3A_154 = vector.load %arg1[%get3A_152, %get3A_153] : memref<4104x256xf32, #tpu.memory_space<vmem>>, vector<64x256xf32>
    %broadcast_in_dim3A_155 = vector.shape_cast %eq3A_151 : vector<1x256xi1> to vector<1x256xi1>
    %broadcast_in_dim3A_156 = vector.broadcast %broadcast_in_dim3A_155 : vector<1x256xi1> to vector<64x256xi1>
    %select_n3A_157 = arith.select %broadcast_in_dim3A_156, %get3A_154, %select_n3A_148 : vector<64x256xi1>, vector<64x256xf32>
    %eq3A_158 = arith.constant 3 : i32
    %eq3A_159 = vector.broadcast %eq3A_158 : i32 to vector<1x256xi32>
    %eq3A_160 = arith.cmpi eq, %select_n3A_53, %eq3A_159 : vector<1x256xi32>
    %get3A_161 = arith.constant 1608 : index
    %get3A_162 = arith.constant 0 : index
    %get3A_163 = vector.load %arg1[%get3A_161, %get3A_162] : memref<4104x256xf32, #tpu.memory_space<vmem>>, vector<64x256xf32>
    %broadcast_in_dim3A_164 = vector.shape_cast %eq3A_160 : vector<1x256xi1> to vector<1x256xi1>
    %broadcast_in_dim3A_165 = vector.broadcast %broadcast_in_dim3A_164 : vector<1x256xi1> to vector<64x256xi1>
    %select_n3A_166 = arith.select %broadcast_in_dim3A_165, %get3A_163, %select_n3A_157 : vector<64x256xi1>, vector<64x256xf32>
    %eq3A_167 = arith.constant 4 : i32
    %eq3A_168 = vector.broadcast %eq3A_167 : i32 to vector<1x256xi32>
    %eq3A_169 = arith.cmpi eq, %select_n3A_53, %eq3A_168 : vector<1x256xi32>
    %get3A_170 = arith.constant 2120 : index
    %get3A_171 = arith.constant 0 : index
    %get3A_172 = vector.load %arg1[%get3A_170, %get3A_171] : memref<4104x256xf32, #tpu.memory_space<vmem>>, vector<64x256xf32>
    %broadcast_in_dim3A_173 = vector.shape_cast %eq3A_169 : vector<1x256xi1> to vector<1x256xi1>
    %broadcast_in_dim3A_174 = vector.broadcast %broadcast_in_dim3A_173 : vector<1x256xi1> to vector<64x256xi1>
    %select_n3A_175 = arith.select %broadcast_in_dim3A_174, %get3A_172, %select_n3A_166 : vector<64x256xi1>, vector<64x256xf32>
    %eq3A_176 = arith.constant 5 : i32
    %eq3A_177 = vector.broadcast %eq3A_176 : i32 to vector<1x256xi32>
    %eq3A_178 = arith.cmpi eq, %select_n3A_53, %eq3A_177 : vector<1x256xi32>
    %get3A_179 = arith.constant 2632 : index
    %get3A_180 = arith.constant 0 : index
    %get3A_181 = vector.load %arg1[%get3A_179, %get3A_180] : memref<4104x256xf32, #tpu.memory_space<vmem>>, vector<64x256xf32>
    %broadcast_in_dim3A_182 = vector.shape_cast %eq3A_178 : vector<1x256xi1> to vector<1x256xi1>
    %broadcast_in_dim3A_183 = vector.broadcast %broadcast_in_dim3A_182 : vector<1x256xi1> to vector<64x256xi1>
    %select_n3A_184 = arith.select %broadcast_in_dim3A_183, %get3A_181, %select_n3A_175 : vector<64x256xi1>, vector<64x256xf32>
    %eq3A_185 = arith.constant 6 : i32
    %eq3A_186 = vector.broadcast %eq3A_185 : i32 to vector<1x256xi32>
    %eq3A_187 = arith.cmpi eq, %select_n3A_53, %eq3A_186 : vector<1x256xi32>
    %get3A_188 = arith.constant 3144 : index
    %get3A_189 = arith.constant 0 : index
    %get3A_190 = vector.load %arg1[%get3A_188, %get3A_189] : memref<4104x256xf32, #tpu.memory_space<vmem>>, vector<64x256xf32>
    %broadcast_in_dim3A_191 = vector.shape_cast %eq3A_187 : vector<1x256xi1> to vector<1x256xi1>
    %broadcast_in_dim3A_192 = vector.broadcast %broadcast_in_dim3A_191 : vector<1x256xi1> to vector<64x256xi1>
    %select_n3A_193 = arith.select %broadcast_in_dim3A_192, %get3A_190, %select_n3A_184 : vector<64x256xi1>, vector<64x256xf32>
    %eq3A_194 = arith.constant 7 : i32
    %eq3A_195 = vector.broadcast %eq3A_194 : i32 to vector<1x256xi32>
    %eq3A_196 = arith.cmpi eq, %select_n3A_53, %eq3A_195 : vector<1x256xi32>
    %get3A_197 = arith.constant 3656 : index
    %get3A_198 = arith.constant 0 : index
    %get3A_199 = vector.load %arg1[%get3A_197, %get3A_198] : memref<4104x256xf32, #tpu.memory_space<vmem>>, vector<64x256xf32>
    %broadcast_in_dim3A_200 = vector.shape_cast %eq3A_196 : vector<1x256xi1> to vector<1x256xi1>
    %broadcast_in_dim3A_201 = vector.broadcast %broadcast_in_dim3A_200 : vector<1x256xi1> to vector<64x256xi1>
    %select_n3A_202 = arith.select %broadcast_in_dim3A_201, %get3A_199, %select_n3A_193 : vector<64x256xi1>, vector<64x256xf32>
    %swap3A_203 = arith.constant 64 : index
    %swap3A_204 = arith.constant 0 : index
    %swap3A_205 = vector.load %arg2[%swap3A_203, %swap3A_204] : memref<512x256xf32, #tpu.memory_space<vmem>>, vector<64x256xf32>
    tpu.vector_store %arg2[%swap3A_203, %swap3A_204], %select_n3A_202 {strides = array<i32>} : memref<512x256xf32, #tpu.memory_space<vmem>>, vector<64x256xf32>,
    %eq3A_206 = arith.constant 0 : i32
    %eq3A_207 = vector.broadcast %eq3A_206 : i32 to vector<1x256xi32>
    %eq3A_208 = arith.cmpi eq, %select_n3A_53, %eq3A_207 : vector<1x256xi32>
    %get3A_209 = arith.constant 136 : index
    %get3A_210 = arith.constant 0 : index
    %get3A_211 = vector.load %arg1[%get3A_209, %get3A_210] : memref<4104x256xf32, #tpu.memory_space<vmem>>, vector<64x256xf32>
    %jit3A_212 = arith.constant 0.000000e+00 : f32
    %broadcast_in_dim3A_213 = vector.shape_cast %eq3A_208 : vector<1x256xi1> to vector<1x256xi1>
    %broadcast_in_dim3A_214 = vector.broadcast %broadcast_in_dim3A_213 : vector<1x256xi1> to vector<64x256xi1>
    %broadcast_in_dim3A_215 = vector.broadcast %jit3A_212 : f32 to vector<64x256xf32>
    %select_n3A_216 = arith.select %broadcast_in_dim3A_214, %get3A_211, %broadcast_in_dim3A_215 : vector<64x256xi1>, vector<64x256xf32>
    %eq3A_217 = arith.constant 1 : i32
    %eq3A_218 = vector.broadcast %eq3A_217 : i32 to vector<1x256xi32>
    %eq3A_219 = arith.cmpi eq, %select_n3A_53, %eq3A_218 : vector<1x256xi32>
    %get3A_220 = arith.constant 648 : index
    %get3A_221 = arith.constant 0 : index
    %get3A_222 = vector.load %arg1[%get3A_220, %get3A_221] : memref<4104x256xf32, #tpu.memory_space<vmem>>, vector<64x256xf32>
    %broadcast_in_dim3A_223 = vector.shape_cast %eq3A_219 : vector<1x256xi1> to vector<1x256xi1>
    %broadcast_in_dim3A_224 = vector.broadcast %broadcast_in_dim3A_223 : vector<1x256xi1> to vector<64x256xi1>
    %select_n3A_225 = arith.select %broadcast_in_dim3A_224, %get3A_222, %select_n3A_216 : vector<64x256xi1>, vector<64x256xf32>
    %eq3A_226 = arith.constant 2 : i32
    %eq3A_227 = vector.broadcast %eq3A_226 : i32 to vector<1x256xi32>
    %eq3A_228 = arith.cmpi eq, %select_n3A_53, %eq3A_227 : vector<1x256xi32>
    %get3A_229 = arith.constant 1160 : index
    %get3A_230 = arith.constant 0 : index
    %get3A_231 = vector.load %arg1[%get3A_229, %get3A_230] : memref<4104x256xf32, #tpu.memory_space<vmem>>, vector<64x256xf32>
    %broadcast_in_dim3A_232 = vector.shape_cast %eq3A_228 : vector<1x256xi1> to vector<1x256xi1>
    %broadcast_in_dim3A_233 = vector.broadcast %broadcast_in_dim3A_232 : vector<1x256xi1> to vector<64x256xi1>
    %select_n3A_234 = arith.select %broadcast_in_dim3A_233, %get3A_231, %select_n3A_225 : vector<64x256xi1>, vector<64x256xf32>
    %eq3A_235 = arith.constant 3 : i32
    %eq3A_236 = vector.broadcast %eq3A_235 : i32 to vector<1x256xi32>
    %eq3A_237 = arith.cmpi eq, %select_n3A_53, %eq3A_236 : vector<1x256xi32>
    %get3A_238 = arith.constant 1672 : index
    %get3A_239 = arith.constant 0 : index
    %get3A_240 = vector.load %arg1[%get3A_238, %get3A_239] : memref<4104x256xf32, #tpu.memory_space<vmem>>, vector<64x256xf32>
    %broadcast_in_dim3A_241 = vector.shape_cast %eq3A_237 : vector<1x256xi1> to vector<1x256xi1>
    %broadcast_in_dim3A_242 = vector.broadcast %broadcast_in_dim3A_241 : vector<1x256xi1> to vector<64x256xi1>
    %select_n3A_243 = arith.select %broadcast_in_dim3A_242, %get3A_240, %select_n3A_234 : vector<64x256xi1>, vector<64x256xf32>
    %eq3A_244 = arith.constant 4 : i32
    %eq3A_245 = vector.broadcast %eq3A_244 : i32 to vector<1x256xi32>
    %eq3A_246 = arith.cmpi eq, %select_n3A_53, %eq3A_245 : vector<1x256xi32>
    %get3A_247 = arith.constant 2184 : index
    %get3A_248 = arith.constant 0 : index
    %get3A_249 = vector.load %arg1[%get3A_247, %get3A_248] : memref<4104x256xf32, #tpu.memory_space<vmem>>, vector<64x256xf32>
    %broadcast_in_dim3A_250 = vector.shape_cast %eq3A_246 : vector<1x256xi1> to vector<1x256xi1>
    %broadcast_in_dim3A_251 = vector.broadcast %broadcast_in_dim3A_250 : vector<1x256xi1> to vector<64x256xi1>
    %select_n3A_252 = arith.select %broadcast_in_dim3A_251, %get3A_249, %select_n3A_243 : vector<64x256xi1>, vector<64x256xf32>
    %eq3A_253 = arith.constant 5 : i32
    %eq3A_254 = vector.broadcast %eq3A_253 : i32 to vector<1x256xi32>
    %eq3A_255 = arith.cmpi eq, %select_n3A_53, %eq3A_254 : vector<1x256xi32>
    %get3A_256 = arith.constant 2696 : index
    %get3A_257 = arith.constant 0 : index
    %get3A_258 = vector.load %arg1[%get3A_256, %get3A_257] : memref<4104x256xf32, #tpu.memory_space<vmem>>, vector<64x256xf32>
    %broadcast_in_dim3A_259 = vector.shape_cast %eq3A_255 : vector<1x256xi1> to vector<1x256xi1>
    %broadcast_in_dim3A_260 = vector.broadcast %broadcast_in_dim3A_259 : vector<1x256xi1> to vector<64x256xi1>
    %select_n3A_261 = arith.select %broadcast_in_dim3A_260, %get3A_258, %select_n3A_252 : vector<64x256xi1>, vector<64x256xf32>
    %eq3A_262 = arith.constant 6 : i32
    %eq3A_263 = vector.broadcast %eq3A_262 : i32 to vector<1x256xi32>
    %eq3A_264 = arith.cmpi eq, %select_n3A_53, %eq3A_263 : vector<1x256xi32>
    %get3A_265 = arith.constant 3208 : index
    %get3A_266 = arith.constant 0 : index
    %get3A_267 = vector.load %arg1[%get3A_265, %get3A_266] : memref<4104x256xf32, #tpu.memory_space<vmem>>, vector<64x256xf32>
    %broadcast_in_dim3A_268 = vector.shape_cast %eq3A_264 : vector<1x256xi1> to vector<1x256xi1>
    %broadcast_in_dim3A_269 = vector.broadcast %broadcast_in_dim3A_268 : vector<1x256xi1> to vector<64x256xi1>
    %select_n3A_270 = arith.select %broadcast_in_dim3A_269, %get3A_267, %select_n3A_261 : vector<64x256xi1>, vector<64x256xf32>
    %eq3A_271 = arith.constant 7 : i32
    %eq3A_272 = vector.broadcast %eq3A_271 : i32 to vector<1x256xi32>
    %eq3A_273 = arith.cmpi eq, %select_n3A_53, %eq3A_272 : vector<1x256xi32>
    %get3A_274 = arith.constant 3720 : index
    %get3A_275 = arith.constant 0 : index
    %get3A_276 = vector.load %arg1[%get3A_274, %get3A_275] : memref<4104x256xf32, #tpu.memory_space<vmem>>, vector<64x256xf32>
    %broadcast_in_dim3A_277 = vector.shape_cast %eq3A_273 : vector<1x256xi1> to vector<1x256xi1>
    %broadcast_in_dim3A_278 = vector.broadcast %broadcast_in_dim3A_277 : vector<1x256xi1> to vector<64x256xi1>
    %select_n3A_279 = arith.select %broadcast_in_dim3A_278, %get3A_276, %select_n3A_270 : vector<64x256xi1>, vector<64x256xf32>
    %swap3A_280 = arith.constant 128 : index
    %swap3A_281 = arith.constant 0 : index
    %swap3A_282 = vector.load %arg2[%swap3A_280, %swap3A_281] : memref<512x256xf32, #tpu.memory_space<vmem>>, vector<64x256xf32>
    tpu.vector_store %arg2[%swap3A_280, %swap3A_281], %select_n3A_279 {strides = array<i32>} : memref<512x256xf32, #tpu.memory_space<vmem>>, vector<64x256xf32>,
    %eq3A_283 = arith.constant 0 : i32
    %eq3A_284 = vector.broadcast %eq3A_283 : i32 to vector<1x256xi32>
    %eq3A_285 = arith.cmpi eq, %select_n3A_53, %eq3A_284 : vector<1x256xi32>
    %get3A_286 = arith.constant 200 : index
    %get3A_287 = arith.constant 0 : index
    %get3A_288 = vector.load %arg1[%get3A_286, %get3A_287] : memref<4104x256xf32, #tpu.memory_space<vmem>>, vector<64x256xf32>
    %jit3A_289 = arith.constant 0.000000e+00 : f32
    %broadcast_in_dim3A_290 = vector.shape_cast %eq3A_285 : vector<1x256xi1> to vector<1x256xi1>
    %broadcast_in_dim3A_291 = vector.broadcast %broadcast_in_dim3A_290 : vector<1x256xi1> to vector<64x256xi1>
    %broadcast_in_dim3A_292 = vector.broadcast %jit3A_289 : f32 to vector<64x256xf32>
    %select_n3A_293 = arith.select %broadcast_in_dim3A_291, %get3A_288, %broadcast_in_dim3A_292 : vector<64x256xi1>, vector<64x256xf32>
    %eq3A_294 = arith.constant 1 : i32
    %eq3A_295 = vector.broadcast %eq3A_294 : i32 to vector<1x256xi32>
    %eq3A_296 = arith.cmpi eq, %select_n3A_53, %eq3A_295 : vector<1x256xi32>
    %get3A_297 = arith.constant 712 : index
    %get3A_298 = arith.constant 0 : index
    %get3A_299 = vector.load %arg1[%get3A_297, %get3A_298] : memref<4104x256xf32, #tpu.memory_space<vmem>>, vector<64x256xf32>
    %broadcast_in_dim3A_300 = vector.shape_cast %eq3A_296 : vector<1x256xi1> to vector<1x256xi1>
    %broadcast_in_dim3A_301 = vector.broadcast %broadcast_in_dim3A_300 : vector<1x256xi1> to vector<64x256xi1>
    %select_n3A_302 = arith.select %broadcast_in_dim3A_301, %get3A_299, %select_n3A_293 : vector<64x256xi1>, vector<64x256xf32>
    %eq3A_303 = arith.constant 2 : i32
    %eq3A_304 = vector.broadcast %eq3A_303 : i32 to vector<1x256xi32>
    %eq3A_305 = arith.cmpi eq, %select_n3A_53, %eq3A_304 : vector<1x256xi32>
    %get3A_306 = arith.constant 1224 : index
    %get3A_307 = arith.constant 0 : index
    %get3A_308 = vector.load %arg1[%get3A_306, %get3A_307] : memref<4104x256xf32, #tpu.memory_space<vmem>>, vector<64x256xf32>
    %broadcast_in_dim3A_309 = vector.shape_cast %eq3A_305 : vector<1x256xi1> to vector<1x256xi1>
    %broadcast_in_dim3A_310 = vector.broadcast %broadcast_in_dim3A_309 : vector<1x256xi1> to vector<64x256xi1>
    %select_n3A_311 = arith.select %broadcast_in_dim3A_310, %get3A_308, %select_n3A_302 : vector<64x256xi1>, vector<64x256xf32>
    %eq3A_312 = arith.constant 3 : i32
    %eq3A_313 = vector.broadcast %eq3A_312 : i32 to vector<1x256xi32>
    %eq3A_314 = arith.cmpi eq, %select_n3A_53, %eq3A_313 : vector<1x256xi32>
    %get3A_315 = arith.constant 1736 : index
    %get3A_316 = arith.constant 0 : index
    %get3A_317 = vector.load %arg1[%get3A_315, %get3A_316] : memref<4104x256xf32, #tpu.memory_space<vmem>>, vector<64x256xf32>
    %broadcast_in_dim3A_318 = vector.shape_cast %eq3A_314 : vector<1x256xi1> to vector<1x256xi1>
    %broadcast_in_dim3A_319 = vector.broadcast %broadcast_in_dim3A_318 : vector<1x256xi1> to vector<64x256xi1>
    %select_n3A_320 = arith.select %broadcast_in_dim3A_319, %get3A_317, %select_n3A_311 : vector<64x256xi1>, vector<64x256xf32>
    %eq3A_321 = arith.constant 4 : i32
    %eq3A_322 = vector.broadcast %eq3A_321 : i32 to vector<1x256xi32>
    %eq3A_323 = arith.cmpi eq, %select_n3A_53, %eq3A_322 : vector<1x256xi32>
    %get3A_324 = arith.constant 2248 : index
    %get3A_325 = arith.constant 0 : index
    %get3A_326 = vector.load %arg1[%get3A_324, %get3A_325] : memref<4104x256xf32, #tpu.memory_space<vmem>>, vector<64x256xf32>
    %broadcast_in_dim3A_327 = vector.shape_cast %eq3A_323 : vector<1x256xi1> to vector<1x256xi1>
    %broadcast_in_dim3A_328 = vector.broadcast %broadcast_in_dim3A_327 : vector<1x256xi1> to vector<64x256xi1>
    %select_n3A_329 = arith.select %broadcast_in_dim3A_328, %get3A_326, %select_n3A_320 : vector<64x256xi1>, vector<64x256xf32>
    %eq3A_330 = arith.constant 5 : i32
    %eq3A_331 = vector.broadcast %eq3A_330 : i32 to vector<1x256xi32>
    %eq3A_332 = arith.cmpi eq, %select_n3A_53, %eq3A_331 : vector<1x256xi32>
    %get3A_333 = arith.constant 2760 : index
    %get3A_334 = arith.constant 0 : index
    %get3A_335 = vector.load %arg1[%get3A_333, %get3A_334] : memref<4104x256xf32, #tpu.memory_space<vmem>>, vector<64x256xf32>
    %broadcast_in_dim3A_336 = vector.shape_cast %eq3A_332 : vector<1x256xi1> to vector<1x256xi1>
    %broadcast_in_dim3A_337 = vector.broadcast %broadcast_in_dim3A_336 : vector<1x256xi1> to vector<64x256xi1>
    %select_n3A_338 = arith.select %broadcast_in_dim3A_337, %get3A_335, %select_n3A_329 : vector<64x256xi1>, vector<64x256xf32>
    %eq3A_339 = arith.constant 6 : i32
    %eq3A_340 = vector.broadcast %eq3A_339 : i32 to vector<1x256xi32>
    %eq3A_341 = arith.cmpi eq, %select_n3A_53, %eq3A_340 : vector<1x256xi32>
    %get3A_342 = arith.constant 3272 : index
    %get3A_343 = arith.constant 0 : index
    %get3A_344 = vector.load %arg1[%get3A_342, %get3A_343] : memref<4104x256xf32, #tpu.memory_space<vmem>>, vector<64x256xf32>
    %broadcast_in_dim3A_345 = vector.shape_cast %eq3A_341 : vector<1x256xi1> to vector<1x256xi1>
    %broadcast_in_dim3A_346 = vector.broadcast %broadcast_in_dim3A_345 : vector<1x256xi1> to vector<64x256xi1>
    %select_n3A_347 = arith.select %broadcast_in_dim3A_346, %get3A_344, %select_n3A_338 : vector<64x256xi1>, vector<64x256xf32>
    %eq3A_348 = arith.constant 7 : i32
    %eq3A_349 = vector.broadcast %eq3A_348 : i32 to vector<1x256xi32>
    %eq3A_350 = arith.cmpi eq, %select_n3A_53, %eq3A_349 : vector<1x256xi32>
    %get3A_351 = arith.constant 3784 : index
    %get3A_352 = arith.constant 0 : index
    %get3A_353 = vector.load %arg1[%get3A_351, %get3A_352] : memref<4104x256xf32, #tpu.memory_space<vmem>>, vector<64x256xf32>
    %broadcast_in_dim3A_354 = vector.shape_cast %eq3A_350 : vector<1x256xi1> to vector<1x256xi1>
    %broadcast_in_dim3A_355 = vector.broadcast %broadcast_in_dim3A_354 : vector<1x256xi1> to vector<64x256xi1>
    %select_n3A_356 = arith.select %broadcast_in_dim3A_355, %get3A_353, %select_n3A_347 : vector<64x256xi1>, vector<64x256xf32>
    %swap3A_357 = arith.constant 192 : index
    %swap3A_358 = arith.constant 0 : index
    %swap3A_359 = vector.load %arg2[%swap3A_357, %swap3A_358] : memref<512x256xf32, #tpu.memory_space<vmem>>, vector<64x256xf32>
    tpu.vector_store %arg2[%swap3A_357, %swap3A_358], %select_n3A_356 {strides = array<i32>} : memref<512x256xf32, #tpu.memory_space<vmem>>, vector<64x256xf32>,
    %eq3A_360 = arith.constant 0 : i32
    %eq3A_361 = vector.broadcast %eq3A_360 : i32 to vector<1x256xi32>
    %eq3A_362 = arith.cmpi eq, %select_n3A_53, %eq3A_361 : vector<1x256xi32>
    %get3A_363 = arith.constant 264 : index
    %get3A_364 = arith.constant 0 : index
    %get3A_365 = vector.load %arg1[%get3A_363, %get3A_364] : memref<4104x256xf32, #tpu.memory_space<vmem>>, vector<64x256xf32>
    %jit3A_366 = arith.constant 0.000000e+00 : f32
    %broadcast_in_dim3A_367 = vector.shape_cast %eq3A_362 : vector<1x256xi1> to vector<1x256xi1>
    %broadcast_in_dim3A_368 = vector.broadcast %broadcast_in_dim3A_367 : vector<1x256xi1> to vector<64x256xi1>
    %broadcast_in_dim3A_369 = vector.broadcast %jit3A_366 : f32 to vector<64x256xf32>
    %select_n3A_370 = arith.select %broadcast_in_dim3A_368, %get3A_365, %broadcast_in_dim3A_369 : vector<64x256xi1>, vector<64x256xf32>
    %eq3A_371 = arith.constant 1 : i32
    %eq3A_372 = vector.broadcast %eq3A_371 : i32 to vector<1x256xi32>
    %eq3A_373 = arith.cmpi eq, %select_n3A_53, %eq3A_372 : vector<1x256xi32>
    %get3A_374 = arith.constant 776 : index
    %get3A_375 = arith.constant 0 : index
    %get3A_376 = vector.load %arg1[%get3A_374, %get3A_375] : memref<4104x256xf32, #tpu.memory_space<vmem>>, vector<64x256xf32>
    %broadcast_in_dim3A_377 = vector.shape_cast %eq3A_373 : vector<1x256xi1> to vector<1x256xi1>
    %broadcast_in_dim3A_378 = vector.broadcast %broadcast_in_dim3A_377 : vector<1x256xi1> to vector<64x256xi1>
    %select_n3A_379 = arith.select %broadcast_in_dim3A_378, %get3A_376, %select_n3A_370 : vector<64x256xi1>, vector<64x256xf32>
    %eq3A_380 = arith.constant 2 : i32
    %eq3A_381 = vector.broadcast %eq3A_380 : i32 to vector<1x256xi32>
    %eq3A_382 = arith.cmpi eq, %select_n3A_53, %eq3A_381 : vector<1x256xi32>
    %get3A_383 = arith.constant 1288 : index
    %get3A_384 = arith.constant 0 : index
    %get3A_385 = vector.load %arg1[%get3A_383, %get3A_384] : memref<4104x256xf32, #tpu.memory_space<vmem>>, vector<64x256xf32>
    %broadcast_in_dim3A_386 = vector.shape_cast %eq3A_382 : vector<1x256xi1> to vector<1x256xi1>
    %broadcast_in_dim3A_387 = vector.broadcast %broadcast_in_dim3A_386 : vector<1x256xi1> to vector<64x256xi1>
    %select_n3A_388 = arith.select %broadcast_in_dim3A_387, %get3A_385, %select_n3A_379 : vector<64x256xi1>, vector<64x256xf32>
    %eq3A_389 = arith.constant 3 : i32
    %eq3A_390 = vector.broadcast %eq3A_389 : i32 to vector<1x256xi32>
    %eq3A_391 = arith.cmpi eq, %select_n3A_53, %eq3A_390 : vector<1x256xi32>
    %get3A_392 = arith.constant 1800 : index
    %get3A_393 = arith.constant 0 : index
    %get3A_394 = vector.load %arg1[%get3A_392, %get3A_393] : memref<4104x256xf32, #tpu.memory_space<vmem>>, vector<64x256xf32>
    %broadcast_in_dim3A_395 = vector.shape_cast %eq3A_391 : vector<1x256xi1> to vector<1x256xi1>
    %broadcast_in_dim3A_396 = vector.broadcast %broadcast_in_dim3A_395 : vector<1x256xi1> to vector<64x256xi1>
    %select_n3A_397 = arith.select %broadcast_in_dim3A_396, %get3A_394, %select_n3A_388 : vector<64x256xi1>, vector<64x256xf32>
    %eq3A_398 = arith.constant 4 : i32
    %eq3A_399 = vector.broadcast %eq3A_398 : i32 to vector<1x256xi32>
    %eq3A_400 = arith.cmpi eq, %select_n3A_53, %eq3A_399 : vector<1x256xi32>
    %get3A_401 = arith.constant 2312 : index
    %get3A_402 = arith.constant 0 : index
    %get3A_403 = vector.load %arg1[%get3A_401, %get3A_402] : memref<4104x256xf32, #tpu.memory_space<vmem>>, vector<64x256xf32>
    %broadcast_in_dim3A_404 = vector.shape_cast %eq3A_400 : vector<1x256xi1> to vector<1x256xi1>
    %broadcast_in_dim3A_405 = vector.broadcast %broadcast_in_dim3A_404 : vector<1x256xi1> to vector<64x256xi1>
    %select_n3A_406 = arith.select %broadcast_in_dim3A_405, %get3A_403, %select_n3A_397 : vector<64x256xi1>, vector<64x256xf32>
    %eq3A_407 = arith.constant 5 : i32
    %eq3A_408 = vector.broadcast %eq3A_407 : i32 to vector<1x256xi32>
    %eq3A_409 = arith.cmpi eq, %select_n3A_53, %eq3A_408 : vector<1x256xi32>
    %get3A_410 = arith.constant 2824 : index
    %get3A_411 = arith.constant 0 : index
    %get3A_412 = vector.load %arg1[%get3A_410, %get3A_411] : memref<4104x256xf32, #tpu.memory_space<vmem>>, vector<64x256xf32>
    %broadcast_in_dim3A_413 = vector.shape_cast %eq3A_409 : vector<1x256xi1> to vector<1x256xi1>
    %broadcast_in_dim3A_414 = vector.broadcast %broadcast_in_dim3A_413 : vector<1x256xi1> to vector<64x256xi1>
    %select_n3A_415 = arith.select %broadcast_in_dim3A_414, %get3A_412, %select_n3A_406 : vector<64x256xi1>, vector<64x256xf32>
    %eq3A_416 = arith.constant 6 : i32
    %eq3A_417 = vector.broadcast %eq3A_416 : i32 to vector<1x256xi32>
    %eq3A_418 = arith.cmpi eq, %select_n3A_53, %eq3A_417 : vector<1x256xi32>
    %get3A_419 = arith.constant 3336 : index
    %get3A_420 = arith.constant 0 : index
    %get3A_421 = vector.load %arg1[%get3A_419, %get3A_420] : memref<4104x256xf32, #tpu.memory_space<vmem>>, vector<64x256xf32>
    %broadcast_in_dim3A_422 = vector.shape_cast %eq3A_418 : vector<1x256xi1> to vector<1x256xi1>
    %broadcast_in_dim3A_423 = vector.broadcast %broadcast_in_dim3A_422 : vector<1x256xi1> to vector<64x256xi1>
    %select_n3A_424 = arith.select %broadcast_in_dim3A_423, %get3A_421, %select_n3A_415 : vector<64x256xi1>, vector<64x256xf32>
    %eq3A_425 = arith.constant 7 : i32
    %eq3A_426 = vector.broadcast %eq3A_425 : i32 to vector<1x256xi32>
    %eq3A_427 = arith.cmpi eq, %select_n3A_53, %eq3A_426 : vector<1x256xi32>
    %get3A_428 = arith.constant 3848 : index
    %get3A_429 = arith.constant 0 : index
    %get3A_430 = vector.load %arg1[%get3A_428, %get3A_429] : memref<4104x256xf32, #tpu.memory_space<vmem>>, vector<64x256xf32>
    %broadcast_in_dim3A_431 = vector.shape_cast %eq3A_427 : vector<1x256xi1> to vector<1x256xi1>
    %broadcast_in_dim3A_432 = vector.broadcast %broadcast_in_dim3A_431 : vector<1x256xi1> to vector<64x256xi1>
    %select_n3A_433 = arith.select %broadcast_in_dim3A_432, %get3A_430, %select_n3A_424 : vector<64x256xi1>, vector<64x256xf32>
    %swap3A_434 = arith.constant 256 : index
    %swap3A_435 = arith.constant 0 : index
    %swap3A_436 = vector.load %arg2[%swap3A_434, %swap3A_435] : memref<512x256xf32, #tpu.memory_space<vmem>>, vector<64x256xf32>
    tpu.vector_store %arg2[%swap3A_434, %swap3A_435], %select_n3A_433 {strides = array<i32>} : memref<512x256xf32, #tpu.memory_space<vmem>>, vector<64x256xf32>,
    %eq3A_437 = arith.constant 0 : i32
    %eq3A_438 = vector.broadcast %eq3A_437 : i32 to vector<1x256xi32>
    %eq3A_439 = arith.cmpi eq, %select_n3A_53, %eq3A_438 : vector<1x256xi32>
    %get3A_440 = arith.constant 328 : index
    %get3A_441 = arith.constant 0 : index
    %get3A_442 = vector.load %arg1[%get3A_440, %get3A_441] : memref<4104x256xf32, #tpu.memory_space<vmem>>, vector<64x256xf32>
    %jit3A_443 = arith.constant 0.000000e+00 : f32
    %broadcast_in_dim3A_444 = vector.shape_cast %eq3A_439 : vector<1x256xi1> to vector<1x256xi1>
    %broadcast_in_dim3A_445 = vector.broadcast %broadcast_in_dim3A_444 : vector<1x256xi1> to vector<64x256xi1>
    %broadcast_in_dim3A_446 = vector.broadcast %jit3A_443 : f32 to vector<64x256xf32>
    %select_n3A_447 = arith.select %broadcast_in_dim3A_445, %get3A_442, %broadcast_in_dim3A_446 : vector<64x256xi1>, vector<64x256xf32>
    %eq3A_448 = arith.constant 1 : i32
    %eq3A_449 = vector.broadcast %eq3A_448 : i32 to vector<1x256xi32>
    %eq3A_450 = arith.cmpi eq, %select_n3A_53, %eq3A_449 : vector<1x256xi32>
    %get3A_451 = arith.constant 840 : index
    %get3A_452 = arith.constant 0 : index
    %get3A_453 = vector.load %arg1[%get3A_451, %get3A_452] : memref<4104x256xf32, #tpu.memory_space<vmem>>, vector<64x256xf32>
    %broadcast_in_dim3A_454 = vector.shape_cast %eq3A_450 : vector<1x256xi1> to vector<1x256xi1>
    %broadcast_in_dim3A_455 = vector.broadcast %broadcast_in_dim3A_454 : vector<1x256xi1> to vector<64x256xi1>
    %select_n3A_456 = arith.select %broadcast_in_dim3A_455, %get3A_453, %select_n3A_447 : vector<64x256xi1>, vector<64x256xf32>
    %eq3A_457 = arith.constant 2 : i32
    %eq3A_458 = vector.broadcast %eq3A_457 : i32 to vector<1x256xi32>
    %eq3A_459 = arith.cmpi eq, %select_n3A_53, %eq3A_458 : vector<1x256xi32>
    %get3A_460 = arith.constant 1352 : index
    %get3A_461 = arith.constant 0 : index
    %get3A_462 = vector.load %arg1[%get3A_460, %get3A_461] : memref<4104x256xf32, #tpu.memory_space<vmem>>, vector<64x256xf32>
    %broadcast_in_dim3A_463 = vector.shape_cast %eq3A_459 : vector<1x256xi1> to vector<1x256xi1>
    %broadcast_in_dim3A_464 = vector.broadcast %broadcast_in_dim3A_463 : vector<1x256xi1> to vector<64x256xi1>
    %select_n3A_465 = arith.select %broadcast_in_dim3A_464, %get3A_462, %select_n3A_456 : vector<64x256xi1>, vector<64x256xf32>
    %eq3A_466 = arith.constant 3 : i32
    %eq3A_467 = vector.broadcast %eq3A_466 : i32 to vector<1x256xi32>
    %eq3A_468 = arith.cmpi eq, %select_n3A_53, %eq3A_467 : vector<1x256xi32>
    %get3A_469 = arith.constant 1864 : index
    %get3A_470 = arith.constant 0 : index
    %get3A_471 = vector.load %arg1[%get3A_469, %get3A_470] : memref<4104x256xf32, #tpu.memory_space<vmem>>, vector<64x256xf32>
    %broadcast_in_dim3A_472 = vector.shape_cast %eq3A_468 : vector<1x256xi1> to vector<1x256xi1>
    %broadcast_in_dim3A_473 = vector.broadcast %broadcast_in_dim3A_472 : vector<1x256xi1> to vector<64x256xi1>
    %select_n3A_474 = arith.select %broadcast_in_dim3A_473, %get3A_471, %select_n3A_465 : vector<64x256xi1>, vector<64x256xf32>
    %eq3A_475 = arith.constant 4 : i32
    %eq3A_476 = vector.broadcast %eq3A_475 : i32 to vector<1x256xi32>
    %eq3A_477 = arith.cmpi eq, %select_n3A_53, %eq3A_476 : vector<1x256xi32>
    %get3A_478 = arith.constant 2376 : index
    %get3A_479 = arith.constant 0 : index
    %get3A_480 = vector.load %arg1[%get3A_478, %get3A_479] : memref<4104x256xf32, #tpu.memory_space<vmem>>, vector<64x256xf32>
    %broadcast_in_dim3A_481 = vector.shape_cast %eq3A_477 : vector<1x256xi1> to vector<1x256xi1>
    %broadcast_in_dim3A_482 = vector.broadcast %broadcast_in_dim3A_481 : vector<1x256xi1> to vector<64x256xi1>
    %select_n3A_483 = arith.select %broadcast_in_dim3A_482, %get3A_480, %select_n3A_474 : vector<64x256xi1>, vector<64x256xf32>
    %eq3A_484 = arith.constant 5 : i32
    %eq3A_485 = vector.broadcast %eq3A_484 : i32 to vector<1x256xi32>
    %eq3A_486 = arith.cmpi eq, %select_n3A_53, %eq3A_485 : vector<1x256xi32>
    %get3A_487 = arith.constant 2888 : index
    %get3A_488 = arith.constant 0 : index
    %get3A_489 = vector.load %arg1[%get3A_487, %get3A_488] : memref<4104x256xf32, #tpu.memory_space<vmem>>, vector<64x256xf32>
    %broadcast_in_dim3A_490 = vector.shape_cast %eq3A_486 : vector<1x256xi1> to vector<1x256xi1>
    %broadcast_in_dim3A_491 = vector.broadcast %broadcast_in_dim3A_490 : vector<1x256xi1> to vector<64x256xi1>
    %select_n3A_492 = arith.select %broadcast_in_dim3A_491, %get3A_489, %select_n3A_483 : vector<64x256xi1>, vector<64x256xf32>
    %eq3A_493 = arith.constant 6 : i32
    %eq3A_494 = vector.broadcast %eq3A_493 : i32 to vector<1x256xi32>
    %eq3A_495 = arith.cmpi eq, %select_n3A_53, %eq3A_494 : vector<1x256xi32>
    %get3A_496 = arith.constant 3400 : index
    %get3A_497 = arith.constant 0 : index
    %get3A_498 = vector.load %arg1[%get3A_496, %get3A_497] : memref<4104x256xf32, #tpu.memory_space<vmem>>, vector<64x256xf32>
    %broadcast_in_dim3A_499 = vector.shape_cast %eq3A_495 : vector<1x256xi1> to vector<1x256xi1>
    %broadcast_in_dim3A_500 = vector.broadcast %broadcast_in_dim3A_499 : vector<1x256xi1> to vector<64x256xi1>
    %select_n3A_501 = arith.select %broadcast_in_dim3A_500, %get3A_498, %select_n3A_492 : vector<64x256xi1>, vector<64x256xf32>
    %eq3A_502 = arith.constant 7 : i32
    %eq3A_503 = vector.broadcast %eq3A_502 : i32 to vector<1x256xi32>
    %eq3A_504 = arith.cmpi eq, %select_n3A_53, %eq3A_503 : vector<1x256xi32>
    %get3A_505 = arith.constant 3912 : index
    %get3A_506 = arith.constant 0 : index
    %get3A_507 = vector.load %arg1[%get3A_505, %get3A_506] : memref<4104x256xf32, #tpu.memory_space<vmem>>, vector<64x256xf32>
    %broadcast_in_dim3A_508 = vector.shape_cast %eq3A_504 : vector<1x256xi1> to vector<1x256xi1>
    %broadcast_in_dim3A_509 = vector.broadcast %broadcast_in_dim3A_508 : vector<1x256xi1> to vector<64x256xi1>
    %select_n3A_510 = arith.select %broadcast_in_dim3A_509, %get3A_507, %select_n3A_501 : vector<64x256xi1>, vector<64x256xf32>
    %swap3A_511 = arith.constant 320 : index
    %swap3A_512 = arith.constant 0 : index
    %swap3A_513 = vector.load %arg2[%swap3A_511, %swap3A_512] : memref<512x256xf32, #tpu.memory_space<vmem>>, vector<64x256xf32>
    tpu.vector_store %arg2[%swap3A_511, %swap3A_512], %select_n3A_510 {strides = array<i32>} : memref<512x256xf32, #tpu.memory_space<vmem>>, vector<64x256xf32>,
    %eq3A_514 = arith.constant 0 : i32
    %eq3A_515 = vector.broadcast %eq3A_514 : i32 to vector<1x256xi32>
    %eq3A_516 = arith.cmpi eq, %select_n3A_53, %eq3A_515 : vector<1x256xi32>
    %get3A_517 = arith.constant 392 : index
    %get3A_518 = arith.constant 0 : index
    %get3A_519 = vector.load %arg1[%get3A_517, %get3A_518] : memref<4104x256xf32, #tpu.memory_space<vmem>>, vector<64x256xf32>
    %jit3A_520 = arith.constant 0.000000e+00 : f32
    %broadcast_in_dim3A_521 = vector.shape_cast %eq3A_516 : vector<1x256xi1> to vector<1x256xi1>
    %broadcast_in_dim3A_522 = vector.broadcast %broadcast_in_dim3A_521 : vector<1x256xi1> to vector<64x256xi1>
    %broadcast_in_dim3A_523 = vector.broadcast %jit3A_520 : f32 to vector<64x256xf32>
    %select_n3A_524 = arith.select %broadcast_in_dim3A_522, %get3A_519, %broadcast_in_dim3A_523 : vector<64x256xi1>, vector<64x256xf32>
    %eq3A_525 = arith.constant 1 : i32
    %eq3A_526 = vector.broadcast %eq3A_525 : i32 to vector<1x256xi32>
    %eq3A_527 = arith.cmpi eq, %select_n3A_53, %eq3A_526 : vector<1x256xi32>
    %get3A_528 = arith.constant 904 : index
    %get3A_529 = arith.constant 0 : index
    %get3A_530 = vector.load %arg1[%get3A_528, %get3A_529] : memref<4104x256xf32, #tpu.memory_space<vmem>>, vector<64x256xf32>
    %broadcast_in_dim3A_531 = vector.shape_cast %eq3A_527 : vector<1x256xi1> to vector<1x256xi1>
    %broadcast_in_dim3A_532 = vector.broadcast %broadcast_in_dim3A_531 : vector<1x256xi1> to vector<64x256xi1>
    %select_n3A_533 = arith.select %broadcast_in_dim3A_532, %get3A_530, %select_n3A_524 : vector<64x256xi1>, vector<64x256xf32>
    %eq3A_534 = arith.constant 2 : i32
    %eq3A_535 = vector.broadcast %eq3A_534 : i32 to vector<1x256xi32>
    %eq3A_536 = arith.cmpi eq, %select_n3A_53, %eq3A_535 : vector<1x256xi32>
    %get3A_537 = arith.constant 1416 : index
    %get3A_538 = arith.constant 0 : index
    %get3A_539 = vector.load %arg1[%get3A_537, %get3A_538] : memref<4104x256xf32, #tpu.memory_space<vmem>>, vector<64x256xf32>
    %broadcast_in_dim3A_540 = vector.shape_cast %eq3A_536 : vector<1x256xi1> to vector<1x256xi1>
    %broadcast_in_dim3A_541 = vector.broadcast %broadcast_in_dim3A_540 : vector<1x256xi1> to vector<64x256xi1>
    %select_n3A_542 = arith.select %broadcast_in_dim3A_541, %get3A_539, %select_n3A_533 : vector<64x256xi1>, vector<64x256xf32>
    %eq3A_543 = arith.constant 3 : i32
    %eq3A_544 = vector.broadcast %eq3A_543 : i32 to vector<1x256xi32>
    %eq3A_545 = arith.cmpi eq, %select_n3A_53, %eq3A_544 : vector<1x256xi32>
    %get3A_546 = arith.constant 1928 : index
    %get3A_547 = arith.constant 0 : index
    %get3A_548 = vector.load %arg1[%get3A_546, %get3A_547] : memref<4104x256xf32, #tpu.memory_space<vmem>>, vector<64x256xf32>
    %broadcast_in_dim3A_549 = vector.shape_cast %eq3A_545 : vector<1x256xi1> to vector<1x256xi1>
    %broadcast_in_dim3A_550 = vector.broadcast %broadcast_in_dim3A_549 : vector<1x256xi1> to vector<64x256xi1>
    %select_n3A_551 = arith.select %broadcast_in_dim3A_550, %get3A_548, %select_n3A_542 : vector<64x256xi1>, vector<64x256xf32>
    %eq3A_552 = arith.constant 4 : i32
    %eq3A_553 = vector.broadcast %eq3A_552 : i32 to vector<1x256xi32>
    %eq3A_554 = arith.cmpi eq, %select_n3A_53, %eq3A_553 : vector<1x256xi32>
    %get3A_555 = arith.constant 2440 : index
    %get3A_556 = arith.constant 0 : index
    %get3A_557 = vector.load %arg1[%get3A_555, %get3A_556] : memref<4104x256xf32, #tpu.memory_space<vmem>>, vector<64x256xf32>
    %broadcast_in_dim3A_558 = vector.shape_cast %eq3A_554 : vector<1x256xi1> to vector<1x256xi1>
    %broadcast_in_dim3A_559 = vector.broadcast %broadcast_in_dim3A_558 : vector<1x256xi1> to vector<64x256xi1>
    %select_n3A_560 = arith.select %broadcast_in_dim3A_559, %get3A_557, %select_n3A_551 : vector<64x256xi1>, vector<64x256xf32>
    %eq3A_561 = arith.constant 5 : i32
    %eq3A_562 = vector.broadcast %eq3A_561 : i32 to vector<1x256xi32>
    %eq3A_563 = arith.cmpi eq, %select_n3A_53, %eq3A_562 : vector<1x256xi32>
    %get3A_564 = arith.constant 2952 : index
    %get3A_565 = arith.constant 0 : index
    %get3A_566 = vector.load %arg1[%get3A_564, %get3A_565] : memref<4104x256xf32, #tpu.memory_space<vmem>>, vector<64x256xf32>
    %broadcast_in_dim3A_567 = vector.shape_cast %eq3A_563 : vector<1x256xi1> to vector<1x256xi1>
    %broadcast_in_dim3A_568 = vector.broadcast %broadcast_in_dim3A_567 : vector<1x256xi1> to vector<64x256xi1>
    %select_n3A_569 = arith.select %broadcast_in_dim3A_568, %get3A_566, %select_n3A_560 : vector<64x256xi1>, vector<64x256xf32>
    %eq3A_570 = arith.constant 6 : i32
    %eq3A_571 = vector.broadcast %eq3A_570 : i32 to vector<1x256xi32>
    %eq3A_572 = arith.cmpi eq, %select_n3A_53, %eq3A_571 : vector<1x256xi32>
    %get3A_573 = arith.constant 3464 : index
    %get3A_574 = arith.constant 0 : index
    %get3A_575 = vector.load %arg1[%get3A_573, %get3A_574] : memref<4104x256xf32, #tpu.memory_space<vmem>>, vector<64x256xf32>
    %broadcast_in_dim3A_576 = vector.shape_cast %eq3A_572 : vector<1x256xi1> to vector<1x256xi1>
    %broadcast_in_dim3A_577 = vector.broadcast %broadcast_in_dim3A_576 : vector<1x256xi1> to vector<64x256xi1>
    %select_n3A_578 = arith.select %broadcast_in_dim3A_577, %get3A_575, %select_n3A_569 : vector<64x256xi1>, vector<64x256xf32>
    %eq3A_579 = arith.constant 7 : i32
    %eq3A_580 = vector.broadcast %eq3A_579 : i32 to vector<1x256xi32>
    %eq3A_581 = arith.cmpi eq, %select_n3A_53, %eq3A_580 : vector<1x256xi32>
    %get3A_582 = arith.constant 3976 : index
    %get3A_583 = arith.constant 0 : index
    %get3A_584 = vector.load %arg1[%get3A_582, %get3A_583] : memref<4104x256xf32, #tpu.memory_space<vmem>>, vector<64x256xf32>
    %broadcast_in_dim3A_585 = vector.shape_cast %eq3A_581 : vector<1x256xi1> to vector<1x256xi1>
    %broadcast_in_dim3A_586 = vector.broadcast %broadcast_in_dim3A_585 : vector<1x256xi1> to vector<64x256xi1>
    %select_n3A_587 = arith.select %broadcast_in_dim3A_586, %get3A_584, %select_n3A_578 : vector<64x256xi1>, vector<64x256xf32>
    %swap3A_588 = arith.constant 384 : index
    %swap3A_589 = arith.constant 0 : index
    %swap3A_590 = vector.load %arg2[%swap3A_588, %swap3A_589] : memref<512x256xf32, #tpu.memory_space<vmem>>, vector<64x256xf32>
    tpu.vector_store %arg2[%swap3A_588, %swap3A_589], %select_n3A_587 {strides = array<i32>} : memref<512x256xf32, #tpu.memory_space<vmem>>, vector<64x256xf32>,
    %eq3A_591 = arith.constant 0 : i32
    %eq3A_592 = vector.broadcast %eq3A_591 : i32 to vector<1x256xi32>
    %eq3A_593 = arith.cmpi eq, %select_n3A_53, %eq3A_592 : vector<1x256xi32>
    %get3A_594 = arith.constant 456 : index
    %get3A_595 = arith.constant 0 : index
    %get3A_596 = vector.load %arg1[%get3A_594, %get3A_595] : memref<4104x256xf32, #tpu.memory_space<vmem>>, vector<64x256xf32>
    %jit3A_597 = arith.constant 0.000000e+00 : f32
    %broadcast_in_dim3A_598 = vector.shape_cast %eq3A_593 : vector<1x256xi1> to vector<1x256xi1>
    %broadcast_in_dim3A_599 = vector.broadcast %broadcast_in_dim3A_598 : vector<1x256xi1> to vector<64x256xi1>
    %broadcast_in_dim3A_600 = vector.broadcast %jit3A_597 : f32 to vector<64x256xf32>
    %select_n3A_601 = arith.select %broadcast_in_dim3A_599, %get3A_596, %broadcast_in_dim3A_600 : vector<64x256xi1>, vector<64x256xf32>
    %eq3A_602 = arith.constant 1 : i32
    %eq3A_603 = vector.broadcast %eq3A_602 : i32 to vector<1x256xi32>
    %eq3A_604 = arith.cmpi eq, %select_n3A_53, %eq3A_603 : vector<1x256xi32>
    %get3A_605 = arith.constant 968 : index
    %get3A_606 = arith.constant 0 : index
    %get3A_607 = vector.load %arg1[%get3A_605, %get3A_606] : memref<4104x256xf32, #tpu.memory_space<vmem>>, vector<64x256xf32>
    %broadcast_in_dim3A_608 = vector.shape_cast %eq3A_604 : vector<1x256xi1> to vector<1x256xi1>
    %broadcast_in_dim3A_609 = vector.broadcast %broadcast_in_dim3A_608 : vector<1x256xi1> to vector<64x256xi1>
    %select_n3A_610 = arith.select %broadcast_in_dim3A_609, %get3A_607, %select_n3A_601 : vector<64x256xi1>, vector<64x256xf32>
    %eq3A_611 = arith.constant 2 : i32
    %eq3A_612 = vector.broadcast %eq3A_611 : i32 to vector<1x256xi32>
    %eq3A_613 = arith.cmpi eq, %select_n3A_53, %eq3A_612 : vector<1x256xi32>
    %get3A_614 = arith.constant 1480 : index
    %get3A_615 = arith.constant 0 : index
    %get3A_616 = vector.load %arg1[%get3A_614, %get3A_615] : memref<4104x256xf32, #tpu.memory_space<vmem>>, vector<64x256xf32>
    %broadcast_in_dim3A_617 = vector.shape_cast %eq3A_613 : vector<1x256xi1> to vector<1x256xi1>
    %broadcast_in_dim3A_618 = vector.broadcast %broadcast_in_dim3A_617 : vector<1x256xi1> to vector<64x256xi1>
    %select_n3A_619 = arith.select %broadcast_in_dim3A_618, %get3A_616, %select_n3A_610 : vector<64x256xi1>, vector<64x256xf32>
    %eq3A_620 = arith.constant 3 : i32
    %eq3A_621 = vector.broadcast %eq3A_620 : i32 to vector<1x256xi32>
    %eq3A_622 = arith.cmpi eq, %select_n3A_53, %eq3A_621 : vector<1x256xi32>
    %get3A_623 = arith.constant 1992 : index
    %get3A_624 = arith.constant 0 : index
    %get3A_625 = vector.load %arg1[%get3A_623, %get3A_624] : memref<4104x256xf32, #tpu.memory_space<vmem>>, vector<64x256xf32>
    %broadcast_in_dim3A_626 = vector.shape_cast %eq3A_622 : vector<1x256xi1> to vector<1x256xi1>
    %broadcast_in_dim3A_627 = vector.broadcast %broadcast_in_dim3A_626 : vector<1x256xi1> to vector<64x256xi1>
    %select_n3A_628 = arith.select %broadcast_in_dim3A_627, %get3A_625, %select_n3A_619 : vector<64x256xi1>, vector<64x256xf32>
    %eq3A_629 = arith.constant 4 : i32
    %eq3A_630 = vector.broadcast %eq3A_629 : i32 to vector<1x256xi32>
    %eq3A_631 = arith.cmpi eq, %select_n3A_53, %eq3A_630 : vector<1x256xi32>
    %get3A_632 = arith.constant 2504 : index
    %get3A_633 = arith.constant 0 : index
    %get3A_634 = vector.load %arg1[%get3A_632, %get3A_633] : memref<4104x256xf32, #tpu.memory_space<vmem>>, vector<64x256xf32>
    %broadcast_in_dim3A_635 = vector.shape_cast %eq3A_631 : vector<1x256xi1> to vector<1x256xi1>
    %broadcast_in_dim3A_636 = vector.broadcast %broadcast_in_dim3A_635 : vector<1x256xi1> to vector<64x256xi1>
    %select_n3A_637 = arith.select %broadcast_in_dim3A_636, %get3A_634, %select_n3A_628 : vector<64x256xi1>, vector<64x256xf32>
    %eq3A_638 = arith.constant 5 : i32
    %eq3A_639 = vector.broadcast %eq3A_638 : i32 to vector<1x256xi32>
    %eq3A_640 = arith.cmpi eq, %select_n3A_53, %eq3A_639 : vector<1x256xi32>
    %get3A_641 = arith.constant 3016 : index
    %get3A_642 = arith.constant 0 : index
    %get3A_643 = vector.load %arg1[%get3A_641, %get3A_642] : memref<4104x256xf32, #tpu.memory_space<vmem>>, vector<64x256xf32>
    %broadcast_in_dim3A_644 = vector.shape_cast %eq3A_640 : vector<1x256xi1> to vector<1x256xi1>
    %broadcast_in_dim3A_645 = vector.broadcast %broadcast_in_dim3A_644 : vector<1x256xi1> to vector<64x256xi1>
    %select_n3A_646 = arith.select %broadcast_in_dim3A_645, %get3A_643, %select_n3A_637 : vector<64x256xi1>, vector<64x256xf32>
    %eq3A_647 = arith.constant 6 : i32
    %eq3A_648 = vector.broadcast %eq3A_647 : i32 to vector<1x256xi32>
    %eq3A_649 = arith.cmpi eq, %select_n3A_53, %eq3A_648 : vector<1x256xi32>
    %get3A_650 = arith.constant 3528 : index
    %get3A_651 = arith.constant 0 : index
    %get3A_652 = vector.load %arg1[%get3A_650, %get3A_651] : memref<4104x256xf32, #tpu.memory_space<vmem>>, vector<64x256xf32>
    %broadcast_in_dim3A_653 = vector.shape_cast %eq3A_649 : vector<1x256xi1> to vector<1x256xi1>
    %broadcast_in_dim3A_654 = vector.broadcast %broadcast_in_dim3A_653 : vector<1x256xi1> to vector<64x256xi1>
    %select_n3A_655 = arith.select %broadcast_in_dim3A_654, %get3A_652, %select_n3A_646 : vector<64x256xi1>, vector<64x256xf32>
    %eq3A_656 = arith.constant 7 : i32
    %eq3A_657 = vector.broadcast %eq3A_656 : i32 to vector<1x256xi32>
    %eq3A_658 = arith.cmpi eq, %select_n3A_53, %eq3A_657 : vector<1x256xi32>
    %get3A_659 = arith.constant 4040 : index
    %get3A_660 = arith.constant 0 : index
    %get3A_661 = vector.load %arg1[%get3A_659, %get3A_660] : memref<4104x256xf32, #tpu.memory_space<vmem>>, vector<64x256xf32>
    %broadcast_in_dim3A_662 = vector.shape_cast %eq3A_658 : vector<1x256xi1> to vector<1x256xi1>
    %broadcast_in_dim3A_663 = vector.broadcast %broadcast_in_dim3A_662 : vector<1x256xi1> to vector<64x256xi1>
    %select_n3A_664 = arith.select %broadcast_in_dim3A_663, %get3A_661, %select_n3A_655 : vector<64x256xi1>, vector<64x256xf32>
    %swap3A_665 = arith.constant 448 : index
    %swap3A_666 = arith.constant 0 : index
    %swap3A_667 = vector.load %arg2[%swap3A_665, %swap3A_666] : memref<512x256xf32, #tpu.memory_space<vmem>>, vector<64x256xf32>
    tpu.vector_store %arg2[%swap3A_665, %swap3A_666], %select_n3A_664 {strides = array<i32>} : memref<512x256xf32, #tpu.memory_space<vmem>>, vector<64x256xf32>,
    return
  }
  func.func @transform_0(%arg0: i32) -> (i32, i32) {
    %c0_i32 = arith.constant 0 : i32
    %c0_i32_0 = arith.constant 0 : i32
    return %c0_i32, %arg0 : i32, i32
  }
  func.func @transform_1(%arg0: i32) -> (i32, i32) {
    %c0_i32 = arith.constant 0 : i32
    %c0_i32_0 = arith.constant 0 : i32
    return %c0_i32, %arg0 : i32, i32
  }
}

</mosaic_0001>

<sc_bundles>
// kernel: kernel.5.cloned.1.call-start
scs
__scs_entry_jumppad:
0x0: {  	(pc) =	sbr.rel $0x88, $3  }
0x1: {  	(tag) =	ssettag $0x0;
	lr =	simm.s32 $0x1  }
0x2: {  	[smem:$0x3FA0] =	sst lr;
	_ =	strace $0xD0000000  }
0x3: {  	_ = 	snop  }
0x4: {  	_ = 	snop  }
0x5: {  	_ = 	snop  }
0x6: {  	_ = 	snop  }
0x7: {  	_ = 	snop  }
__scs_overlays_trampoline_lowered:
0x8: {  	[smem:$0x3FAF] =	sst s0  }
0x9: {  	[smem:$0x3FB0] =	sst s1  }
0xa: {  	[smem:$0x3FB1] =	sst s2  }
0xb: {  	[smem:$0x3FB2] =	sst s3  }
0xc: {  	[smem:$0x3FB3] =	sst s4  }
0xd: {  	[smem:$0x3FB4] =	sst s5  }
0xe: {  	[smem:$0x3FB5] =	sst s6  }
0xf: {  	[smem:$0x3FB6] =	sst s7  }
0x10: {  	[smem:$0x3FB7] =	sst s8  }
0x11: {  	[smem:$0x3FB8] =	sst s9;
	s0 =	simm.s32 @!p0 $0x0  }
0x12: {  	s1 =	sld [smem:$0x3F9E];
	s0 =	simm.s32 @p0 $0x1  }
0x13: {  	[smem:$0x3FB9] =	sst s0;
	s0 =	simm.s32 @!p1 $0x0  }
0x14: {  	s2 =	sld [smem:$0x3F9D];
	s0 =	simm.s32 @p1 $0x1  }
0x15: {  	[smem:$0x3FBA] =	sst s0;
	s0 =	simm.s32 @!p2 $0x0  }
0x16: {  	s3 =	sld [smem:$0x3FDB];
	s0 =	simm.s32 @p2 $0x1  }
0x17: {  	s4 =	simm.s32 $0x1BF5;
	[smem:$0x3FBC] =	sst s0  }
0x18: {  	s0 =	sld [smem:$0x3F9F];
	_ =	swait.ge [sflag:s4], $0x0  }
0x19: {  	s7 =	sld [smem:$0x3FA0]  }
0x1a: {  	s8 =	sadd.s32 $0xFFFFE003, lr  }
0x1b: {  	s9 =	sadd.s32 $0xFFFFFEF7, lr;
	s5 =	simm.s32 $0xFFFFFFFF;
	p2 =	slt.u32 s8, $0xFFFFF086  }
0x1c: {  	p1 =	slt.u32 s9, $0xF7A;
	s5 =	simm.s32 @!p2 $0x0  }
0x1d: {  	s5 =	simm.s32 @p1 $0x1;
	p0 =	seq.s32 s7, s2  }
0x1e: {  	s7 =	smul.u32 @!p0 $0xF7A, s2;
	p2 =	seq.s32 @!p0 s5, $0x0  }
0x1f: {  	s9 =	smul.u32 $0xF7A, s1;
	s8 =	simm.s32 @!p0 $0x1BF5;
	p2 =	por !p2, p0  }
0x20: {  	[sflag:s8] =	ssyncset.s32 @!p0 $0xFFFFF086;
	s6 =	sadd.s32 @!p0 s3, s7;
	s7 =	simm.s32 @!p0 $0x108  }
0x21: {  	s3 =	sadd.s32 s3, s9;
	s6 =	sadd.s32 @!p0 $0x88, s6;
	s7 =	simm.s32 @p2 $0x1082  }
0x22: {  	[simem:s7], [sflag:s8] =	dma.local @!p0 [hbm:s6], $0xF7A  }
0x23: {  	s9 =	sor.u32 $0xD0000000, s2;
	s6 =	simm.s32 $0x108;
	_ =	swait.ge @!p0 [sflag:s8], $0x0  }
0x24: {  	s3 =	sadd.s32 $0x88, s3;
	s6 =	simm.s32 @!p1 $0x1082;
	[sflag:s4] =	ssyncset.s32 $0xFFFFF086  }
0x25: {  	[simem:s6], [sflag:s4] =	dma.local [hbm:s3], $0xF7A  }
0x26: {  	[smem:$0x3FA0] =	sst s1;
	(tag) =	ssettag s2;
	_ =	strace s9  }
0x27: {  	s1 =	sld [smem:$0x3FB0]  }
0x28: {  	s2 =	sld [smem:$0x3FB1]  }
0x29: {  	s4 =	sld [smem:$0x3FB3]  }
0x2a: {  	p0 =	seq.s32 s5, $0x0;
	s5 =	sld [smem:$0x3FB4]  }
0x2b: {  	s6 =	sld [smem:$0x3FB5]  }
0x2c: {  	s7 =	sld [smem:$0x3FB6]  }
0x2d: {  	s3 =	simm.s32 $0x108;
	s8 =	sld [smem:$0x3FB7]  }
0x2e: {  	s3 =	simm.s32 @!p0 $0x1082;
	s9 =	sld [smem:$0x3FB8]  }
0x2f: {  	lr =	sadd.s32 s0, s3;
	s0 =	sld [smem:$0x3FAF]  }
0x30: {  	s3 =	sld [smem:$0x3FB2]  }
0x31: {  	[smem:$0x3FBB] =	sst s10  }
0x32: {  	s10 =	sld [smem:$0x3FB9];
	_ =	sdelay $0x3  }
0x33: {  	p0 =	seq.s32 s10, $0x1;
	s10 =	sld [smem:$0x3FBB];
	_ =	sdelay $0x3  }
0x34: {  	[smem:$0x3FBB] =	sst s10  }
0x35: {  	s10 =	sld [smem:$0x3FBA];
	_ =	sdelay $0x3  }
0x36: {  	p1 =	seq.s32 s10, $0x1;
	s10 =	sld [smem:$0x3FBB];
	_ =	sdelay $0x3  }
0x37: {  	[smem:$0x3FBB] =	sst s10  }
0x38: {  	s10 =	sld [smem:$0x3FBC]  }
0x39: {  	_ = 	snop;
	(pc) =	sbr.ind lr, $3  }
0x3a: {  	_ = 	snop  }
0x3b: {  	_ = 	snop  }
0x3c: {  	p2 =	seq.s32 s10, $0x1;
	s10 =	sld [smem:$0x3FBB]  }
0x3d: {  	_ =	shalt  }
0x3e: {  	_ =	shalt  }
0x3f: {  	_ =	shalt  }
0x40: {  	_ =	shalt  }
0x41: {  	_ =	shalt  }
0x42: {  	_ =	shalt  }
0x43: {  	_ =	shalt  }
0x44: {  	_ =	shalt  }
0x45: {  	_ =	shalt  }
0x46: {  	_ =	shalt  }
0x47: {  	_ =	shalt  }
0x48: {  	_ =	shalt  }
0x49: {  	_ =	shalt  }
0x4a: {  	_ =	shalt  }
0x4b: {  	_ =	shalt  }
0x4c: {  	_ =	shalt  }
0x4d: {  	_ =	shalt  }
0x4e: {  	_ =	shalt  }
0x4f: {  	_ =	shalt  }
0x50: {  	_ =	shalt  }
0x51: {  	_ =	shalt  }
0x52: {  	_ =	shalt  }
0x53: {  	_ =	shalt  }
0x54: {  	_ =	shalt  }
0x55: {  	_ =	shalt  }
0x56: {  	_ =	shalt  }
0x57: {  	_ =	shalt  }
0x58: {  	_ =	shalt  }
0x59: {  	_ =	shalt  }
0x5a: {  	_ =	shalt  }
0x5b: {  	_ =	shalt  }
0x5c: {  	_ =	shalt  }
0x5d: {  	_ =	shalt  }
0x5e: {  	_ =	shalt  }
0x5f: {  	_ =	shalt  }
0x60: {  	_ =	shalt  }
0x61: {  	_ =	shalt  }
0x62: {  	_ =	shalt  }
0x63: {  	_ =	shalt  }
0x64: {  	_ =	shalt  }
0x65: {  	_ =	shalt  }
0x66: {  	_ =	shalt  }
0x67: {  	_ =	shalt  }
0x68: {  	_ =	shalt  }
0x69: {  	_ =	shalt  }
0x6a: {  	_ =	shalt  }
0x6b: {  	_ =	shalt  }
0x6c: {  	_ =	shalt  }
0x6d: {  	_ =	shalt  }
0x6e: {  	_ =	shalt  }
0x6f: {  	_ =	shalt  }
0x70: {  	_ =	shalt  }
0x71: {  	_ =	shalt  }
0x72: {  	_ =	shalt  }
0x73: {  	_ =	shalt  }
0x74: {  	_ =	shalt  }
0x75: {  	_ =	shalt  }
0x76: {  	_ =	shalt  }
0x77: {  	_ =	shalt  }
0x78: {  	_ =	shalt  }
0x79: {  	_ =	shalt  }
0x7a: {  	_ =	shalt  }
0x7b: {  	_ =	shalt  }
0x7c: {  	_ =	shalt  }
0x7d: {  	_ =	shalt  }
0x7e: {  	_ =	shalt  }
0x7f: {  	_ =	shalt  }
0x80: {  	_ =	shalt  }
0x81: {  	_ =	shalt  }
0x82: {  	_ =	shalt  }
0x83: {  	_ =	shalt  }
0x84: {  	_ =	shalt  }
0x85: {  	_ =	shalt  }
0x86: {  	_ =	shalt  }
0x87: {  	_ =	shalt  }
.Lfunc_end0:
.L_simem_size_0:
called_computation_lowered:
.L_overlay_start_0:
0x88: {  	s2 =	sld [smem:$0x3FD9]  }
0x89: {  	s3 =	sld [smem:$0x3FFE];
	_ =	sdelay $0x1  }
0x8a: {  	s1 =	srdreg.scid  }
0x8b: {  	s0 =	sand.u32 $0x1, s1  }
0x8c: {  	s14 =	sshll.u32 s0, $0xA;
	s2 =	sadd.s32 s3, s2  }
0x8d: {  	s2 =	sadd.s32 s2, s14  }
0x8e: {  	[smem:$0x3FC7] =	sst s2  }
0x8f: {  	_ = 	snop  }
0x90: {  	s2 =	sld [smem:$0x3FD0];
	_ =	sdelay $0x2  }
0x91: {  	s15 =	simm.s32 $0xA;
	s4 =	simm.s32 $0x10  }
0x92: {  	[smem:s4], [sflag:s15] =	dma.local [hbm:s2], $0x1  }
0x93: {  	_ =	swait.eq [sflag:s15], $0x1  }
0x94: {  	[sflag:s15] =	ssyncset.done $0x0  }
0x95: {  	[sflag:s15] =	ssyncadd.s32 $0xFFFFFFFF  }
0x96: {  	s16 =	sld [smem:$0x10];
	(tm) =	ssettm $0x1  }
0x97: {  	s17 =	sld [smem:$0x3FFB];
	_ =	sdelay $0x3  }
0x98: {  	_ =	strace s17  }
0x99: {  	s3 =	sld [smem:$0x3FFC];
	_ =	sdelay $0x3  }
0x9a: {  	_ =	strace s3  }
0x9b: {  	s3 =	sld [smem:$0x3FFD];
	_ =	sdelay $0x3  }
0x9c: {  	_ =	strace s3  }
0x9d: {  	_ =	strace $0x8FFFFFFF  }
0x9e: {  	s18 =	sld [smem:$0x3FDB];
	_ =	sdelay $0x1  }
0x9f: {  	s19 =	simm.s32 $_scs_section_size  }
0xa0: {  	s5 =	simm.s32 $_size__tile_overlayer_lowered;
	s6 =	simm.s32 $_tile_overlayer_lowered  }
0xa1: {  	s22 =	simm.s32 $0x1BFF;
	s21 =	sshll.u32 s6, $0x1;
	s3 =	sadd.s32 s19, s18  }
0xa2: {  	s7 =	simm.s32 $0x0;
	s20 =	sshll.u32 s5, $0x1;
	s5 =	sadd.s32 s21, s3  }
0xa3: {  	[timem:s7], [sflag:s22] =	dma.local [hbm:s5], s20  }
0xa4: {  	_ =	swait.ge [sflag:s22], s20  }
0xa5: {  	s4 =	ssub.s32 $0x0, s20;
	[sflag:s22] =	ssyncset.done $0x0  }
0xa6: {  	[sflag:s22] =	ssyncadd.s32 s4;
	_ =	sdelay $0x1  }
0xa7: {  	s23 =	simm.s32 $0x1B8B  }
0xa8: {  	_ =	swait.ge [sflag:s23], $0x1  }
0xa9: {  	[sflag:s23] =	ssyncset.done $0x0  }
0xaa: {  	s25 =	simm.s32 $0x1B8E;
	s24 =	sld [smem:$0x3FFE];
	[sflag:s23] =	ssyncadd.s32 $0xFFFFFFFF  }
0xab: {  	s26 =	simm.s32 $execute0_lowered;
	[smem:$0x3FD2] =	sst s25  }
0xac: {  	s5 =	sshll.u32 s26, $0x1;
	_ =	strace $0x80000046;
	[dreg:$0x1] =	wrdreg $0xFFFFFFFF  }
0xad: {  	s28 =	simm.s32 $_size_execute0_lowered;
	s3 =	sadd.s32 s3, s5;
	[dreg:$0x0] =	wrdreg $0x0  }
0xae: {  	s5 =	sshll.u32 s28, $0x1;
	[dreg:$0x2] =	wrdreg s3  }
0xaf: {  	[dreg:$0x3] =	wrdreg s5  }
0xb0: {  	[dreg:$0x4] =	wrdreg $0xC0  }
0xb1: {  	_ =	task [dreg:s7], $0x5FFFF  }
0xb2: {  	[dreg:$0x1] =	wrdreg $0xFFFFFFFF  }
0xb3: {  	[dreg:$0x0] =	wrdreg $0x60  }
0xb4: {  	[dreg:$0x2] =	wrdreg s24  }
0xb5: {  	[dreg:$0x3] =	wrdreg s16  }
0xb6: {  	[dreg:$0x4] =	wrdreg $0x9  }
0xb7: {  	_ =	task.clear_ibuf [dreg:s7], $0x5FFFF;
	_ =	strace $0x90000046  }
0xb8: {  	s29 =	simm.s32 $0x9;
	_ =	strace $0x80000048  }
0xb9: {  	_ =	swait.ge [sflag:s29], $0x1  }
0xba: {  	[sflag:s29] =	ssyncadd.s32 $0xFFFFFFFF  }
0xbb: {  	_ =	strace $0x90000048  }
0xbc: {  	_ =	sfence  }
0xbd: {  	s30 =	sld [smem:$0x0];
	_ =	sdelay $0x2  }
0xbe: {  	s31 =	sshll.u32 s1, $0xD;
	s1 =	sshrl.u32 s1, $0x2  }
0xbf: {  	s3 =	sand.u32 $0x4000, s31;
	s1 =	sadd.s32 s1, s30  }
0xc0: {  	s0 =	sor.u32 s3, s0;
	s1 =	sshll.u32 s1, $0x11  }
0xc1: {  	s0 =	sor.u32 s1, s0  }
0xc2: {  	s0 =	sadd.s32 $0x8F2B, s0  }
0xc3: {  	[sflag:s0] =	ssyncadd.remote.s32 $0x1  }
0xc4: {  	_ =	sfence.sel $0xFFFF  }
0xc5: {  	[dreg:$0x0] =	wrdreg $0xFFFFFFFF;
	(pc) =	sbr.abs _section_cstart, $3  }
0xc6: {  	[dreg:$0x1] =	wrdreg $0xFFFFFFFF  }
0xc7: {  	_ =	task.clear_ibuf [dreg:s7], $0x2FFFF;
	_ =	strace $0x9FFFFFFF  }
0xc8: {  	(tm) =	ssettm $0x7FFFFFFF  }
0xc9: {  	_ =	shalt  }
tec
execute0_lowered:
.L_overlay_start_1:
0x0: {  	(tag) =	ssettag $0x1  }
0x1: {  	s3 =	rddreg [dreg:$0x0]  }
0x2: {  	s4 =	rddreg [dreg:$0x1]  }
0x3: {  	s0 =	rddreg [dreg:$0x2];
	s5 =	srdreg.scid  }
0x4: {  	s2 =	simm.s32 $0x0;
	s1 =	stileid.u32;
	s8 =	simm.s32 $0x0  }
0x5: {  	s5 =	sand.u32 $0x1, s5;
	s6 =	sshll.u32 s1, $0x9;
	[smem:$0x7FF] =	sst s2  }
0x6: {  	s7 =	sshll.u32 s5, $0x8;
	s5 =	ssub.s32 $0x2, s5;
	_ =	strace $0x80000047  }
0x7: {  	s6 =	sor.u32 s7, s6;
	s31 =	sshrl.u32 s5, $0x1;
	s7 =	simm.s32 $0x800  }
0x8: {  	s3 =	sadd.s32 s6, s3;
	s5 =	ssub.s32 s5, s31;
	s4 =	sadd.s32 s4, s6  }
0x9: {  	s6 =	simm.s32 $0x1;
	s3 =	sadd.s32 $0xA00, s3;
	s5 =	smax.u32 s5, $0x1  }
.LBB2_1:
0xa: {  	[tilespmem:s2], [sflag:$0x1] =	stream.linear.gather [hbm4b:s3+s2], $0x800, $0x38;
	[tilespmem:$0x1000] =	vst v63  }
0xb: {  	_ =	swait.ge [sflag:s6], $0x800  }
0xc: {  	s9 =	sand.u32 $0x400, s2;
	s10 =	sand.u32 $0x70, s2;
	[sflag:s6] =	ssyncset.done $0x0  }
0xd: {  	s10 =	sor.u32 s10, s9;
	[sflag:s6] =	ssyncadd.s32 $0xFFFFF800  }
0xe: {  	v0 =	vld [tilespmem:s10+$0x0]  }
0xf: {  	v1 =	vld [tilespmem:s10+$0x80]  }
0x10: {  	v2 =	vld [tilespmem:s10+$0x100]  }
0x11: {  	v3 =	vld [tilespmem:s10+$0x180]  }
0x12: {  	v4 =	vld [tilespmem:s10+$0x200]  }
0x13: {  	v5 =	vld [tilespmem:s10+$0x280]  }
0x14: {  	v7 =	vld [tilespmem:s10+$0x300];
	v6 =	vmax.f32 v0, v1  }
0x15: {  	v8 =	vld [tilespmem:s10+$0x380];
	v6 =	vmax.f32 v6, v2  }
0x16: {  	v6 =	vmax.f32 v6, v3  }
0x17: {  	v6 =	vmax.f32 v6, v4  }
0x18: {  	s29 =	simm.s32 $0x10;
	s11 =	simm.s32 $0x80;
	v6 =	vmax.f32 v6, v5  }
0x19: {  	s11 =	sand.u32 $0x400, s11;
	s9 =	sand.u32 $0x70, s29;
	v6 =	vmax.f32 v6, v7  }
0x1a: {  	s9 =	sor.u32 s9, s11;
	v6 =	vmax.f32 v6, v8  }
0x1b: {  	v9 =	vld [tilespmem:s9+$0x0];
	v0 =	vsub.f32 v0, v6  }
0x1c: {  	v10 =	vld [tilespmem:s9+$0x80];
	v1 =	vsub.f32 v1, v6  }
0x1d: {  	v0 =	vmul.f32 $1.442695020e+00, v0  }
0x1e: {  	v11 =	vld [tilespmem:s9+$0x100];
	v2 =	vsub.f32 v2, v6;
	v1 =	vmul.f32 $1.442695020e+00, v1  }
0x1f: {  	v12 =	vld [tilespmem:s9+$0x180];
	(erf) = vpow2.f32 v0  }
0x20: {  	v13 =	vld [tilespmem:s9+$0x200];
	v2 =	vmul.f32 $1.442695020e+00, v2;
	v0 =	vsub.f32 v3, v6;
	(erf) = vpow2.f32 v1  }
0x21: {  	v16 =	vld [tilespmem:s9+$0x280];
	v1 =	vmax.f32 v9, v10  }
0x22: {  	v17 =	vld [tilespmem:s9+$0x300];
	v0 =	vmul.f32 $1.442695020e+00, v0;
	(erf) = vpow2.f32 v2;
	v2 =	vsub.f32 v4, v6  }
0x23: {  	v20 =	vld [tilespmem:s9+$0x380];
	v3 =	vsub.f32 v5, v6;
	v1 =	vmax.f32 v1, v11  }
0x24: {  	(erf) = vpow2.f32 v0;
	v0 =	vmax.f32 v1, v12;
	v1 =	vmul.f32 $1.442695020e+00, v2  }
0x25: {  	v2 =	vmul.f32 $1.442695020e+00, v3;
	v0 =	vmax.f32 v0, v13  }
0x26: {  	v3 =	vsub.f32 v7, v6;
	v0 =	vmax.f32 v0, v16  }
0x27: {  	v4 =	vsub.f32 v8, v6;
	(erf) = vpow2.f32 v1;
	v0 =	vmax.f32 v0, v17  }
0x28: {  	s30 =	simm.s32 $0x20;
	s12 =	simm.s32 $0x100;
	v3 =	vmul.f32 $1.442695020e+00, v3;
	v7 =	vmax.f32 v0, v20;
	v1 =	vpop (erf)  }
0x29: {  	s12 =	sand.u32 $0x400, s12;
	s11 =	sand.u32 $0x70, s30;
	v4 =	vmul.f32 $1.442695020e+00, v4;
	(erf) = vpow2.f32 v2;
	v6 =	vsub.f32 v9, v7;
	v2 =	vpop (erf)  }
0x2a: {  	s11 =	sor.u32 s11, s12;
	(erf) = vpow2.f32 v3;
	v3 =	vsub.f32 v10, v7;
	v5 =	vadd.f32 v2, v1  }
0x2b: {  	v21 =	vld [tilespmem:s11+$0x0];
	(erf) = vpow2.f32 v4  }
0x2c: {  	v23 =	vld [tilespmem:s11+$0x80];
	v4 =	vsub.f32 v11, v7;
	v0 =	vpop (erf);
	v6 =	vmul.f32 $1.442695020e+00, v6;
	v3 =	vmul.f32 $1.442695020e+00, v3  }
0x2d: {  	v25 =	vld [tilespmem:s11+$0x100];
	v8 =	vadd.f32 v5, v0  }
0x2e: {  	v18 =	vld [tilespmem:s11+$0x180];
	v4 =	vmul.f32 $1.442695020e+00, v4;
	(erf) = vpow2.f32 v6;
	v6 =	vsub.f32 v12, v7;
	v5 =	vpop (erf)  }
0x2f: {  	v15 =	vld [tilespmem:s11+$0x200];
	v8 =	vadd.f32 v8, v5  }
0x30: {  	(erf) = vpow2.f32 v3;
	v6 =	vmul.f32 $1.442695020e+00, v6;
	v3 =	vpop (erf)  }
0x31: {  	v9 =	vmax.f32 v21, v23;
	v8 =	vadd.f32 v8, v3  }
0x32: {  	v14 =	vld [tilespmem:s11+$0x280];
	v9 =	vmax.f32 v9, v25;
	(erf) = vpow2.f32 v4;
	v4 =	vpop (erf)  }
0x33: {  	v9 =	vmax.f32 v9, v18;
	v12 =	vsub.f32 v13, v7;
	v8 =	vadd.f32 v8, v4  }
0x34: {  	v9 =	vmax.f32 v9, v15;
	v13 =	vsub.f32 v16, v7;
	(erf) = vpow2.f32 v6;
	v6 =	vpop (erf)  }
0x35: {  	s31 =	simm.s32 $0x30;
	s13 =	simm.s32 $0x180;
	v10 =	vld [tilespmem:s11+$0x300];
	v12 =	vmul.f32 $1.442695020e+00, v12;
	v8 =	vadd.f32 v8, v6  }
0x36: {  	s14 =	sand.u32 $0x400, s13;
	s12 =	sand.u32 $0x70, s31;
	v11 =	vld [tilespmem:s11+$0x380];
	v13 =	vmul.f32 $1.442695020e+00, v13  }
0x37: {  	s12 =	sor.u32 s12, s14;
	v17 =	vsub.f32 v17, v7;
	v22 =	vmax.f32 v9, v14;
	(erf) = vpow2.f32 v12;
	v9 =	vpop (erf)  }
0x38: {  	v19 =	vld [tilespmem:s12+$0x80];
	(erf) = vpow2.f32 v13;
	v13 =	vsub.f32 v20, v7;
	v12 =	vadd.f32 v8, v9  }
0x39: {  	v16 =	vld [tilespmem:s12+$0x0];
	v20 =	vmul.f32 $1.442695020e+00, v17;
	v8 =	vpop (erf)  }
0x3a: {  	v22 =	vmax.f32 v22, v10;
	(erf) = vrcp.f32 v12;
	v12 =	vmul.f32 $1.442695020e+00, v13;
	v7 =	vpop (erf)  }
0x3b: {  	v17 =	vmax.f32 v22, v11;
	v22 =	vld [tilespmem:s12+$0x100];
	v24 =	vadd.f32 v7, v8  }
0x3c: {  	v26 =	vsub.f32 v21, v17;
	(erf) = vpow2.f32 v20;
	v13 =	vpop (erf)  }
0x3d: {  	v28 =	vsub.f32 v23, v17;
	v29 =	vadd.f32 v24, v13  }
0x3e: {  	v21 =	vld [tilespmem:s12+$0x180];
	v23 =	vmax.f32 v16, v19;
	v27 =	vmul.f32 $1.442695020e+00, v26;
	(erf) = vpow2.f32 v12;
	v12 =	vpop (erf)  }
0x3f: {  	s14 =	simm.s32 $0x40;
	v26 =	vsub.f32 v25, v17;
	v20 =	vld [tilespmem:s12+$0x200];
	v24 =	vmul.f32 $1.442695020e+00, v28;
	v25 =	vadd.f32 v29, v12  }
.LBB2_2:
0x40: {  	v23 =	vmax.f32 v23, v22;
	v32 =	vsub.f32 v18, v17;
	(erf) = vpow2.f32 v27;
	v27 =	vpop (erf)  }
0x41: {  	p0 =	sne.s32 s14, $0xF0;
	v28 =	vmovc v19;
	v29 =	vmovc v22;
	v19 =	vmov v0;
	v0 =	vmov v13;
	v13 =	vmov v5;
	s15 =	smov.u32 s11;
	s11 =	smov.u32 s12  }
0x42: {  	v22 =	vld [tilespmem:s11+$0x280];
	v33 =	vmul.f32 $1.442695020e+00, v26;
	(erf) = vpow2.f32 v24;
	v24 =	vadd.f32 v25, v27;
	v25 =	vpop (erf)  }
0x43: {  	v34 =	vsub.f32 v15, v17;
	v23 =	vmax.f32 v23, v21;
	v26 =	vmul.f32 $1.442695020e+00, v32;
	v30 =	vpop (erf)  }
0x44: {  	v5 =	vmovc v12;
	v18 =	vmovc v21;
	v31 =	vld [tilespmem:s11+$0x300];
	(erf) = vpow2.f32 v33;
	v24 =	vadd.f32 v24, v25;
	v35 =	vmul.f32 v30, v9  }
0x45: {  	v36 =	vsub.f32 v14, v17;
	v21 =	vmul.f32 v30, v1;
	v12 =	vmax.f32 v23, v20;
	v32 =	vpop (erf)  }
0x46: {  	s13 =	sadd.s32 $0x80, s13;
	v33 =	vmul.f32 $1.442695020e+00, v34;
	v1 =	vmovc v8;
	v15 =	vmovc v20;
	v23 =	vld [tilespmem:s11+$0x380];
	(erf) = vpow2.f32 v26;
	v24 =	vadd.f32 v24, v32;
	[tilespmem:s10+$0xB80] =	vst v35  }
0x47: {  	s16 =	sand.u32 $0x70, s14;
	s12 =	sand.u32 $0x400, s13;
	v20 =	vmul.f32 v30, v2;
	v8 =	vmax.f32 v12, v22;
	v12 =	vmul.f32 $1.442695020e+00, v36;
	v9 =	vpop (erf);
	[tilespmem:s10+$0x800] =	vst v21  }
0x48: {  	s12 =	sor.u32 s16, s12;
	v2 =	vmovc v7;
	v21 =	vsub.f32 v10, v17;
	v14 =	vmovc v22;
	(erf) = vpow2.f32 v33;
	v24 =	vadd.f32 v24, v9  }
0x49: {  	v33 =	vld [tilespmem:s12+$0x0];
	v22 =	vmax.f32 v8, v31;
	(erf) = vpow2.f32 v12;
	[tilespmem:s10+$0x880] =	vst v20;
	v12 =	vmul.f32 v30, v19;
	v10 =	vmovc v31  }
0x4a: {  	v20 =	vmul.f32 $1.442695020e+00, v21;
	v21 =	vsub.f32 v11, v17;
	v19 =	vld [tilespmem:s12+$0x80];
	v8 =	vpop (erf);
	(erf) = vrcp.f32 v24  }
0x4b: {  	v24 =	vmul.f32 v30, v3;
	v17 =	vmax.f32 v22, v23;
	v7 =	vpop (erf);
	[tilespmem:s10+$0x900] =	vst v12;
	v12 =	vmul.f32 v30, v13  }
.Ltmp0:
0x4c: {  	v3 =	vmovc v27;
	v26 =	vmul.f32 $1.442695020e+00, v21;
	v11 =	vmovc v23;
	v22 =	vld [tilespmem:s12+$0x100];
	v31 =	vadd.f32 v7, v8;
	(erf) = vpow2.f32 v20;
	(pc) =	sbr.rel @p0 .LBB2_2-.Ltmp0, $4  }
0x4d: {  	v34 =	vsub.f32 v16, v17;
	v20 =	vmul.f32 v30, v4;
	v30 =	vmul.f32 v30, v6;
	v13 =	vpop (erf);
	[tilespmem:s10+$0x980] =	vst v12  }
0x4e: {  	v28 =	vsub.f32 v28, v17;
	v4 =	vmovc v25;
	v21 =	vld [tilespmem:s12+$0x180];
	v31 =	vadd.f32 v31, v13;
	(erf) = vpow2.f32 v26;
	[tilespmem:s10+$0xA00] =	vst v24  }
0x4f: {  	v6 =	vmov v32;
	v27 =	vmul.f32 $1.442695020e+00, v34;
	v23 =	vmax.f32 v33, v19;
	v12 =	vpop (erf);
	[tilespmem:s10+$0xA80] =	vst v20  }
0x50: {  	s14 =	sadd.s32 $0x10, s14;
	v24 =	vmul.f32 $1.442695020e+00, v28;
	v26 =	vsub.f32 v29, v17;
	v16 =	vmovc v33;
	v20 =	vld [tilespmem:s12+$0x200];
	v25 =	vadd.f32 v31, v12;
	[tilespmem:s10+$0xB00] =	vst v30;
	s10 =	smov.u32 s9;
	s9 =	smov.u32 s15  }
0x51: {  	(erf) = vpow2.f32 v27  }
0x52: {  	v18 =	vsub.f32 v18, v17;
	v27 =	vpop (erf);
	v26 =	vmul.f32 $1.442695020e+00, v26;
	(erf) = vpow2.f32 v24  }
0x53: {  	v15 =	vsub.f32 v15, v17;
	v40 =	vadd.f32 v25, v27  }
0x54: {  	v41 =	vld [tilespmem:s12+$0x280];
	v14 =	vsub.f32 v14, v17;
	v28 =	vpop (erf);
	v18 =	vmul.f32 $1.442695020e+00, v18;
	(erf) = vpow2.f32 v26  }
0x55: {  	v29 =	vld [tilespmem:s12+$0x300];
	v42 =	vpop (erf);
	v15 =	vmul.f32 $1.442695020e+00, v15;
	v24 =	vadd.f32 v40, v28  }
0x56: {  	v23 =	vmax.f32 v23, v22;
	v31 =	vld [tilespmem:s12+$0x380];
	v14 =	vmul.f32 $1.442695020e+00, v14;
	v30 =	vpop (erf);
	(erf) = vpow2.f32 v18  }
0x57: {  	v23 =	vmax.f32 v23, v21;
	v44 =	vadd.f32 v24, v30  }
0x58: {  	v10 =	vsub.f32 v10, v17;
	v43 =	vmax.f32 v23, v20;
	v45 =	vpop (erf);
	(erf) = vpow2.f32 v15  }
0x59: {  	v11 =	vsub.f32 v11, v17;
	v46 =	vmax.f32 v43, v41;
	v47 =	vadd.f32 v44, v45  }
0x5a: {  	v10 =	vmul.f32 $1.442695020e+00, v10;
	v15 =	vmax.f32 v46, v29;
	(erf) = vpow2.f32 v14;
	v14 =	vpop (erf)  }
0x5b: {  	v11 =	vmul.f32 $1.442695020e+00, v11;
	v15 =	vmax.f32 v15, v31;
	(erf) = vrcp.f32 v47;
	v17 =	vpop (erf)  }
0x5c: {  	v49 =	vsub.f32 v16, v15;
	(erf) = vpow2.f32 v10;
	v48 =	vadd.f32 v17, v14  }
0x5d: {  	v19 =	vsub.f32 v19, v15;
	v16 =	vpop (erf)  }
0x5e: {  	v10 =	vmul.f32 $1.442695020e+00, v49;
	(erf) = vpow2.f32 v11;
	v18 =	vadd.f32 v48, v16  }
0x5f: {  	v50 =	vsub.f32 v22, v15;
	v19 =	vmul.f32 $1.442695020e+00, v19;
	v11 =	vpop (erf)  }
0x60: {  	(erf) = vpow2.f32 v10;
	v18 =	vadd.f32 v18, v11  }
0x61: {  	v51 =	vsub.f32 v21, v15;
	v22 =	vmul.f32 $1.442695020e+00, v50;
	v21 =	vpop (erf);
	(erf) = vpow2.f32 v19  }
0x62: {  	v18 =	vadd.f32 v18, v21  }
0x63: {  	v52 =	vsub.f32 v20, v15;
	v10 =	vmul.f32 $1.442695020e+00, v51;
	v19 =	vpop (erf);
	(erf) = vpow2.f32 v22  }
0x64: {  	v53 =	vpop (erf);
	v18 =	vadd.f32 v18, v19  }
0x65: {  	v54 =	vsub.f32 v41, v15;
	v20 =	vmul.f32 $1.442695020e+00, v52;
	v25 =	vpop (erf);
	(erf) = vpow2.f32 v10  }
0x66: {  	v55 =	vadd.f32 v18, v25  }
0x67: {  	v29 =	vsub.f32 v29, v15;
	v56 =	vmul.f32 $1.442695020e+00, v54;
	v57 =	vpop (erf);
	(erf) = vpow2.f32 v20  }
0x68: {  	v15 =	vsub.f32 v31, v15;
	v10 =	vadd.f32 v55, v57  }
0x69: {  	v58 =	vmul.f32 $1.442695020e+00, v29;
	(erf) = vpow2.f32 v56;
	v59 =	vpop (erf)  }
0x6a: {  	v15 =	vmul.f32 $1.442695020e+00, v15;
	v60 =	vpop (erf);
	(erf) = vrcp.f32 v10  }
0x6b: {  	v9 =	vmul.f32 v42, v9;
	v61 =	vadd.f32 v60, v59;
	(erf) = vpow2.f32 v58  }
0x6c: {  	v1 =	vmul.f32 v42, v1;
	v62 =	vpop (erf)  }
0x6d: {  	v2 =	vmul.f32 v42, v2;
	[tilespmem:s10+$0xB80] =	vst v9;
	v63 =	vadd.f32 v61, v62;
	(erf) = vpow2.f32 v15  }
0x6e: {  	v0 =	vmul.f32 v42, v0;
	[tilespmem:s10+$0x800] =	vst v1;
	v15 =	vpop (erf)  }
0x6f: {  	v32 =	vmul.f32 v42, v3;
	[tilespmem:s10+$0x880] =	vst v2;
	v31 =	vadd.f32 v63, v15  }
0x70: {  	v34 =	vmul.f32 v42, v4;
	[tilespmem:s10+$0x900] =	vst v0;
	v33 =	vpop (erf)  }
0x71: {  	v36 =	vmul.f32 v42, v6;
	[tilespmem:s10+$0xA00] =	vst v32;
	v35 =	vadd.f32 v31, v33  }
0x72: {  	[tilespmem:s10+$0xA80] =	vst v34;
	v29 =	vmul.f32 v42, v5;
	v37 =	vpop (erf)  }
0x73: {  	[tilespmem:s10+$0xB00] =	vst v36;
	v38 =	vmul.f32 v53, v45;
	v4 =	vadd.f32 v35, v37;
	v39 =	vpop (erf)  }
0x74: {  	[tilespmem:s10+$0x980] =	vst v29;
	v40 =	vmul.f32 v53, v8;
	v41 =	vpop (erf)  }
0x75: {  	v42 =	vmul.f32 v53, v7;
	[tilespmem:s9+$0xB80] =	vst v38;
	v4 =	vadd.f32 v4, v41  }
0x76: {  	v43 =	vmul.f32 v53, v13;
	[tilespmem:s9+$0x800] =	vst v40;
	v44 =	vpop (erf)  }
0x77: {  	v45 =	vmul.f32 v53, v12;
	[tilespmem:s9+$0x880] =	vst v42;
	v4 =	vadd.f32 v4, v44  }
0x78: {  	v46 =	vmul.f32 v53, v27;
	[tilespmem:s9+$0x900] =	vst v43  }
0x79: {  	v47 =	vmul.f32 v53, v28;
	[tilespmem:s9+$0x980] =	vst v45;
	(erf) = vrcp.f32 v4  }
0x7a: {  	v48 =	vmul.f32 v53, v30;
	[tilespmem:s9+$0xA00] =	vst v46  }
0x7b: {  	[tilespmem:s9+$0xA80] =	vst v47;
	v49 =	vmul.f32 v39, v57  }
0x7c: {  	[tilespmem:s9+$0xB00] =	vst v48;
	v50 =	vmul.f32 v39, v14  }
0x7d: {  	v51 =	vmul.f32 v39, v17;
	[tilespmem:s11+$0xB80] =	vst v49  }
0x7e: {  	v52 =	vmul.f32 v39, v16;
	[tilespmem:s11+$0x800] =	vst v50  }
0x7f: {  	v53 =	vmul.f32 v39, v11;
	[tilespmem:s11+$0x880] =	vst v51  }
0x80: {  	v54 =	vmul.f32 v39, v21;
	[tilespmem:s11+$0x900] =	vst v52  }
0x81: {  	v55 =	vmul.f32 v39, v19;
	[tilespmem:s11+$0x980] =	vst v53  }
0x82: {  	v56 =	vmul.f32 v39, v25;
	[tilespmem:s11+$0xA00] =	vst v54;
	v57 =	vpop (erf)  }
0x83: {  	[tilespmem:s11+$0xA80] =	vst v55;
	v58 =	vmul.f32 v57, v44  }
0x84: {  	[tilespmem:s11+$0xB00] =	vst v56;
	v59 =	vmul.f32 v57, v59  }
0x85: {  	v60 =	vmul.f32 v57, v60;
	[tilespmem:s12+$0xB80] =	vst v58  }
0x86: {  	v61 =	vmul.f32 v57, v62;
	[tilespmem:s12+$0x800] =	vst v59  }
0x87: {  	v1 =	vmul.f32 v57, v15;
	[tilespmem:s12+$0x880] =	vst v60  }
0x88: {  	v62 =	vmul.f32 v57, v33;
	[tilespmem:s12+$0x900] =	vst v61  }
0x89: {  	v0 =	vmul.f32 v57, v37;
	[tilespmem:s12+$0x980] =	vst v1  }
0x8a: {  	s8 =	sadd.s32 $0x1, s8;
	v63 =	vmul.f32 v57, v41;
	[tilespmem:s12+$0xA00] =	vst v62  }
0x8b: {  	p0 =	sne.s32 s8, s5;
	[tilespmem:s12+$0xA80] =	vst v0  }
.Ltmp1:
0x8c: {  	[tilespmem:s12+$0xB00] =	vst v63;
	(pc) =	sbr.rel @p0 .LBB2_1-.Ltmp1, $4  }
0x8d: {  	[hbm4b:s4+s2] =	stream.linear.scatter [tilespmem:s7], [sflag:$0x1], $0x800, $0x38;
	[tilespmem:$0x1000] =	vst v63  }
0x8e: {  	_ =	swait.ge [sflag:s6], $0x800  }
0x8f: {  	[sflag:s6] =	ssyncset.done $0x0  }
0x90: {  	[sflag:s6] =	ssyncadd.s32 $0xFFFFF800  }
0x91: {  	_ =	sfence.sel $0x180000  }
0x92: {  	[bflag:$0x0] =	sbarrier.arrive $0xFFFF  }
0x93: {  	p0 =	sne.s32 s1, $0x0;
	_ =	strace $0x90000047  }
0x94: {  	s0 =	sadd.s32 @!p0 $0x100000, s0;
	[bflag:$0x2] =	sbarrier.arrive $0xFFFF  }
0x95: {  	[sflag:s0] =	ssyncadd.tile.s32 @!p0 $0x1;
	_ =	shalt  }
.Lfunc_end2:
_tile_overlayer_lowered:
.L_overlay_start_2:
0x96: {  	(tag) =	ssettag $0x2  }
0x97: {  	s0 =	rddreg [dreg:$0x0];
	s2 =	stileid.u32  }
0x98: {  	s1 =	rddreg [dreg:$0x1];
	p0 =	sne.s32 s2, $0x0  }
0x99: {  	s3 =	rddreg [dreg:$0x2];
	[bflag:$0x3] =	sbarrier.arrive $0xFFFF;
	s2 =	simm.s32 @!p0 $0x1C01  }
0x9a: {  	[timem:s3], [sflag:s2] =	dma.local @!p0 [hbm:s0], s1  }
0x9b: {  	s0 =	simm.s32 @!p0 $0x1  }
0x9c: {  	_ =	swait.ge @!p0 [sflag:s0], s1  }
0x9d: {  	s1 =	ssub.s32 @!p0 $0x0, s1;
	[sflag:s0] =	ssyncset.done @!p0 $0x0  }
0x9e: {  	[sflag:s0] =	ssyncadd.s32 @!p0 s1  }
0x9f: {  	[bflag:$0x3] =	sbarrier.arrive $0xFFFF  }
0xa0: {  	_ =	shalt  }

</sc_bundles>
